<compile_context>
chip_gen: v7x
topology: tpu7x:2x2x1
jax: 0.10.2.dev20260603
libtpu: 0.0.44.dev20260713+nightly
codegen_flags: <defaults>
</compile_context>

<pallas_src>
import functools

import jax
import jax.numpy as jnp
from jax import lax
from jax.experimental import pallas as pl
from jax.experimental.pallas import tpu as pltpu
from jax.experimental.pallas import tpu_sc as plsc

B, L, V, D = 16384, 64, 1000000, 8
BL = B * L
H = L * D
NSLAB = B // 8


_NC, _NS = 2, 16
_NW = _NC * _NS
_PER_W = BL // _NW
_CH = 4096
_NCH = _PER_W // _CH

def _sc_gather(table, idx, n_rows):
    mesh = plsc.VectorSubcoreMesh(core_axis_name="c", subcore_axis_name="s")
    per_w = n_rows // _NW
    nch = per_w // _CH

    @functools.partial(
        pl.kernel,
        mesh=mesh,
        compiler_params=pltpu.CompilerParams(use_tc_tiling_on_sc=False),
        out_type=jax.ShapeDtypeStruct((n_rows, D), jnp.float32),
        scratch_types=[
            pltpu.VMEM((_CH,), jnp.int32),
            pltpu.VMEM((_CH, D), jnp.float32),
            pltpu.VMEM((_CH,), jnp.int32),
            pltpu.VMEM((_CH, D), jnp.float32),
            pltpu.SemaphoreType.DMA,
            pltpu.SemaphoreType.DMA,
            pltpu.SemaphoreType.DMA,
            pltpu.SemaphoreType.DMA,
        ],
    )
    def gather_kernel(idx_hbm, table_hbm, out_hbm,
                      idx_a, rows_a, idx_b, rows_b,
                      sem_a, sem_b, wsem_a, wsem_b):
        wid = lax.axis_index("s") * _NC + lax.axis_index("c")
        base = wid * per_w
        bufs = ((idx_a, rows_a, sem_a, wsem_a),
                (idx_b, rows_b, sem_b, wsem_b))

        pltpu.sync_copy(idx_hbm.at[pl.ds(base, _CH)], idx_a)
        cps = [pltpu.async_copy(table_hbm.at[idx_a], rows_a, sem_a), None]
        wbs = [None, None]
        for i in range(nch):
            cur, nxt = i % 2, (i + 1) % 2
            if i + 1 < nch:
                iv, rv, sv, _ = bufs[nxt]
                pltpu.sync_copy(
                    idx_hbm.at[pl.ds(base + (i + 1) * _CH, _CH)], iv)
                if wbs[nxt] is not None:
                    wbs[nxt].wait()
                cps[nxt] = pltpu.async_copy(table_hbm.at[iv], rv, sv)
            _, rv, _, wv = bufs[cur]
            cps[cur].wait()
            wbs[cur] = pltpu.async_copy(
                rv, out_hbm.at[pl.ds(base + i * _CH, _CH)], wv)
        for wb in wbs:
            if wb is not None:
                wb.wait()

    return gather_kernel(idx, table)



_BB = 512


def _mlp(x, emb4, E, W1, b1, W2, b2, W3, b3, W4, b4, W5, b5, nb):
    bf16 = jnp.bfloat16

    def dotb(a, w_ref):
        return jnp.dot(a.astype(bf16), w_ref[...],
                       preferred_element_type=jnp.float32)

    def mlp_kernel(x_ref, emb_ref, E_ref, W1_ref, b1_ref, W2_ref, b2_ref,
                   W3_ref, b3_ref, W4_ref, b4_ref, W5_ref, b5_ref, out_ref):
        m = (x_ref[...] != 0).astype(bf16)
        mask = jnp.dot(m, E_ref[...],
                       preferred_element_type=jnp.float32)
        e4 = emb_ref[...].reshape(_BB // 8, 4, 8, 128)
        h = None
        for ct in range(4):
            e = e4[:, ct, :, :].reshape(_BB, 128)
            e = e * mask[:, 128 * ct:128 * (ct + 1)]
            part = jnp.dot(e.astype(bf16),
                           W1_ref[pl.ds(128 * ct, 128), :],
                           preferred_element_type=jnp.float32)
            h = part if h is None else h + part
        h = jnp.maximum(h + b1_ref[...], 0.0)
        h = jnp.maximum(dotb(h, W2_ref) + b2_ref[...], 0.0)
        h = jnp.maximum(dotb(h, W3_ref) + b3_ref[...], 0.0)
        h = jnp.maximum(dotb(h, W4_ref) + b4_ref[...], 0.0)
        out_ref[...] = dotb(h, W5_ref) + b5_ref[...]

    grid = (nb,)
    full = lambda shape: pl.BlockSpec(shape, lambda i: tuple(0 for _ in shape))
    return pl.pallas_call(
        mlp_kernel,
        grid=grid,
        in_specs=[
            pl.BlockSpec((_BB, L), lambda i: (i, 0)),
            pl.BlockSpec((_BB * H // 128, 128), lambda i: (i, 0)),
            full((L, H)),
            full((512, 512)), full((1, 512)),
            full((512, 512)), full((1, 512)),
            full((512, 256)), full((1, 256)),
            full((256, 128)), full((1, 128)),
            full((128, 2)), full((1, 2)),
        ],
        out_specs=pl.BlockSpec((_BB, 2), lambda i: (i, 0)),
        out_shape=jax.ShapeDtypeStruct((nb * _BB, 2), jnp.float32),
    )(x, emb4, E, W1, b1, W2, b2, W3, b3, W4, b4, W5, b5)


_NP = 1
_BP = B // _NP


def kernel(x, table, W1, b1, W2, b2, W3, b3, W4, b4, W5, b5):
    E = jnp.repeat(jnp.eye(L, dtype=jnp.bfloat16), D, axis=1)
    bf16 = jnp.bfloat16
    Ws = (W1.astype(bf16), b1.reshape(1, -1),
          W2.astype(bf16), b2.reshape(1, -1),
          W3.astype(bf16), b3.reshape(1, -1),
          W4.astype(bf16), b4.reshape(1, -1),
          W5.astype(bf16), b5.reshape(1, -1))
    outs = []
    for p in range(_NP):
        xp = lax.slice_in_dim(x, p * _BP, (p + 1) * _BP, axis=0)
        idxP = xp.T.reshape(4, 16, _BP // 8, 8).transpose(2, 0, 3, 1).reshape(-1)
        emb4 = _sc_gather(table, idxP, _BP * L).reshape(_BP * L * D // 128, 128)
        outs.append(_mlp(xp, emb4, E, *Ws, nb=_BP // _BB))
    return jnp.concatenate(outs, axis=0)

# --- scband reference (transcript-rebuilt; emitter-appended) ---
"""Pipeline reference for scband-simple-classificator-50328426774994 (READ-ONLY COPY).

The authoritative reference and input builder live on the scoring server;
editing this copy changes nothing except your own understanding.
"""

import jax, jax.numpy as jnp
import numpy as np

B, L, V, D = 16384, 64, 1000000, 8

def _lin(k, fan_in, fan_out):
    k1, k2 = jax.random.split(k)
    W = jax.random.normal(k1, (fan_in, fan_out), dtype=jnp.float32) * (1.0 / np.sqrt(fan_in))
    b = jax.random.normal(k2, (fan_out,), dtype=jnp.float32) * 0.01
    return W, b

def setup_inputs(seed: int = 0) -> dict:
    key = jax.random.key(seed)
    ks = jax.random.split(key, 8)
    x = jax.random.randint(ks[0], (B, L), 0, V)
    table = jax.random.normal(ks[1], (V, D), dtype=jnp.float32) * 0.02
    W1, b1 = _lin(ks[2], 512, 512)
    W2, b2 = _lin(ks[3], 512, 512)
    W3, b3 = _lin(ks[4], 512, 256)
    W4, b4 = _lin(ks[5], 256, 128)
    W5, b5 = _lin(ks[6], 128, 2)
    return {"x": x, "table": table, "W1": W1, "b1": b1, "W2": W2, "b2": b2,
            "W3": W3, "b3": b3, "W4": W4, "b4": b4, "W5": W5, "b5": b5}

def reference(x, table, W1, b1, W2, b2, W3, b3, W4, b4, W5, b5):
    # nn.Embedding with padding_idx=0: row 0 contributes zeros
    t = table.at[0].set(0.0)
    emb = jnp.take(t, x, axis=0)              # [B, L, D]
    h = emb.reshape(emb.shape[0], -1)          # [B, 512]
    # Dropout1d is identity in eval mode
    h = jax.nn.relu(h @ W1 + b1)
    h = jax.nn.relu(h @ W2 + b2)
    h = jax.nn.relu(h @ W3 + b3)
    h = jax.nn.relu(h @ W4 + b4)
    out = h @ W5 + b5                          # [B, 2]
    return out

if __name__ == "__main__":
    import jax
    _d = setup_inputs()
    print(jax.jit(kernel)(*tuple(_d.values())))

</pallas_src>

<mosaic_0001>
#map = affine_map<(d0, d1) -> (0)>
#map1 = affine_map<(d0, d1) -> (0, 0)>
module attributes {stable_mosaic.version = 14 : i64} {
  func.func @gather_kernel(%arg0: i32, %arg1: i32, %arg2: memref<1048576xi32, #tpu.memory_space<hbm>>, %arg3: memref<1000000x8xf32, #tpu.memory_space<hbm>>, %arg4: memref<1048576x8xf32, #tpu.memory_space<hbm>>, %arg5: memref<4096xi32, #tpu.memory_space<vmem>>, %arg6: memref<4096x8xf32, #tpu.memory_space<vmem>>, %arg7: memref<4096xi32, #tpu.memory_space<vmem>>, %arg8: memref<4096x8xf32, #tpu.memory_space<vmem>>, %arg9: memref<!tpu.dma_semaphore, #tpu.memory_space<semaphore_mem>>, %arg10: memref<!tpu.dma_semaphore, #tpu.memory_space<semaphore_mem>>, %arg11: memref<!tpu.dma_semaphore, #tpu.memory_space<semaphore_mem>>, %arg12: memref<!tpu.dma_semaphore, #tpu.memory_space<semaphore_mem>>) attributes {dimension_semantics = [#tpu.dimension_semantics<core_parallel>, #tpu.dimension_semantics<subcore_parallel>], iteration_bounds = array<i64: 2, 16>, scalar_prefetch = 0 : i64, scratch_operands = 8 : i64, tpu.core_type = #tpu.core_type<sc_vector_subcore>, window_params = [{transform_indices = #map}, {transform_indices = #map1}, {transform_indices = #map1}]} {
    %mul3A = arith.constant 2 : i32
    %mul3A_0 = arith.muli %arg1, %mul3A : i32
    %add3A = arith.addi %mul3A_0, %arg0 : i32
    %mul3A_1 = arith.constant 32768 : i32
    %mul3A_2 = arith.muli %add3A, %mul3A_1 : i32
    "tpu.region"() ({
      %run_scoped3A = tpu.sem_alloc : memref<!tpu.dma_semaphore, #tpu.memory_space<semaphore_mem>>
      %dma_start3A_143 = tpu.memref_slice %arg2[%mul3A_2] : memref<1048576xi32, #tpu.memory_space<hbm>> -> memref<4096xi32, #tpu.memory_space<hbm>>
      %dma_start3A_144 = tpu.memref_slice %arg2[%mul3A_2] : memref<1048576xi32, #tpu.memory_space<hbm>> -> memref<4096xi32, #tpu.memory_space<hbm>>
      tpu.enqueue_dma source(%dma_start3A_144 : memref<4096xi32, #tpu.memory_space<hbm>>) target(%arg5 : memref<4096xi32, #tpu.memory_space<vmem>>) target_semaphore(%run_scoped3A : memref<!tpu.dma_semaphore, #tpu.memory_space<semaphore_mem>>)
      %dma_wait3A_145 = tpu.memref_slice %arg2[%mul3A_2] : memref<1048576xi32, #tpu.memory_space<hbm>> -> memref<4096xi32, #tpu.memory_space<hbm>>
      %dma_wait3A_146 = tpu.memref_slice %arg2[%mul3A_2] : memref<1048576xi32, #tpu.memory_space<hbm>> -> memref<4096xi32, #tpu.memory_space<hbm>>
      tpu.wait_dma2 semaphore(%run_scoped3A : memref<!tpu.dma_semaphore, #tpu.memory_space<semaphore_mem>>) src(%dma_wait3A_146 : memref<4096xi32, #tpu.memory_space<hbm>>) dst(%arg5 : memref<4096xi32, #tpu.memory_space<vmem>>)
      tpu.yield
    }) : () -> ()
    %dma_start3A = arith.constant 0 : i32
    %dma_start3A_3 = arith.constant 0 : i32
    %dma_start3A_4 = tpu.memref_slice %arg3[%dma_start3A, %dma_start3A_3] : memref<1000000x8xf32, #tpu.memory_space<hbm>> -> memref<1000000x8xf32, #tpu.memory_space<hbm>>
    tpu.enqueue_indirect_dma source(%dma_start3A_4 : memref<1000000x8xf32, #tpu.memory_space<hbm>>) target(%arg6 : memref<4096x8xf32, #tpu.memory_space<vmem>>) offsets(%arg5 : memref<4096xi32, #tpu.memory_space<vmem>>) semaphore(%arg9 : memref<!tpu.dma_semaphore, #tpu.memory_space<semaphore_mem>>)
    %add3A_5 = arith.constant 4096 : i32
    %add3A_6 = arith.addi %mul3A_2, %add3A_5 : i32
    "tpu.region"() ({
      %run_scoped3A = tpu.sem_alloc : memref<!tpu.dma_semaphore, #tpu.memory_space<semaphore_mem>>
      %dma_start3A_143 = tpu.memref_slice %arg2[%add3A_6] : memref<1048576xi32, #tpu.memory_space<hbm>> -> memref<4096xi32, #tpu.memory_space<hbm>>
      %dma_start3A_144 = tpu.memref_slice %arg2[%add3A_6] : memref<1048576xi32, #tpu.memory_space<hbm>> -> memref<4096xi32, #tpu.memory_space<hbm>>
      tpu.enqueue_dma source(%dma_start3A_144 : memref<4096xi32, #tpu.memory_space<hbm>>) target(%arg7 : memref<4096xi32, #tpu.memory_space<vmem>>) target_semaphore(%run_scoped3A : memref<!tpu.dma_semaphore, #tpu.memory_space<semaphore_mem>>)
      %dma_wait3A_145 = tpu.memref_slice %arg2[%add3A_6] : memref<1048576xi32, #tpu.memory_space<hbm>> -> memref<4096xi32, #tpu.memory_space<hbm>>
      %dma_wait3A_146 = tpu.memref_slice %arg2[%add3A_6] : memref<1048576xi32, #tpu.memory_space<hbm>> -> memref<4096xi32, #tpu.memory_space<hbm>>
      tpu.wait_dma2 semaphore(%run_scoped3A : memref<!tpu.dma_semaphore, #tpu.memory_space<semaphore_mem>>) src(%dma_wait3A_146 : memref<4096xi32, #tpu.memory_space<hbm>>) dst(%arg7 : memref<4096xi32, #tpu.memory_space<vmem>>)
      tpu.yield
    }) : () -> ()
    %dma_start3A_7 = arith.constant 0 : i32
    %dma_start3A_8 = arith.constant 0 : i32
    %dma_start3A_9 = tpu.memref_slice %arg3[%dma_start3A_7, %dma_start3A_8] : memref<1000000x8xf32, #tpu.memory_space<hbm>> -> memref<1000000x8xf32, #tpu.memory_space<hbm>>
    tpu.enqueue_indirect_dma source(%dma_start3A_9 : memref<1000000x8xf32, #tpu.memory_space<hbm>>) target(%arg8 : memref<4096x8xf32, #tpu.memory_space<vmem>>) offsets(%arg7 : memref<4096xi32, #tpu.memory_space<vmem>>) semaphore(%arg10 : memref<!tpu.dma_semaphore, #tpu.memory_space<semaphore_mem>>)
    %dma_wait3A = arith.constant 0 : i32
    %dma_wait3A_10 = arith.constant 0 : i32
    %dma_wait3A_11 = tpu.memref_slice %arg3[%dma_wait3A, %dma_wait3A_10] : memref<1000000x8xf32, #tpu.memory_space<hbm>> -> memref<1000000x8xf32, #tpu.memory_space<hbm>>
    tpu.wait_indirect_dma semaphore(%arg9 : memref<!tpu.dma_semaphore, #tpu.memory_space<semaphore_mem>>) src(%dma_wait3A_11 : memref<1000000x8xf32, #tpu.memory_space<hbm>>) dst(%arg6 : memref<4096x8xf32, #tpu.memory_space<vmem>>)
    %add3A_12 = arith.constant 0 : i32
    %add3A_13 = arith.addi %mul3A_2, %add3A_12 : i32
    %dma_start3A_14 = arith.constant 0 : i32
    %dma_start3A_15 = tpu.memref_slice %arg4[%add3A_13, %dma_start3A_14] : memref<1048576x8xf32, #tpu.memory_space<hbm>> -> memref<4096x8xf32, #tpu.memory_space<hbm>>
    %dma_start3A_16 = arith.constant 0 : i32
    %dma_start3A_17 = tpu.memref_slice %arg4[%add3A_13, %dma_start3A_16] : memref<1048576x8xf32, #tpu.memory_space<hbm>> -> memref<4096x8xf32, #tpu.memory_space<hbm>>
    tpu.enqueue_dma source(%arg6 : memref<4096x8xf32, #tpu.memory_space<vmem>>) target(%dma_start3A_17 : memref<4096x8xf32, #tpu.memory_space<hbm>>) target_semaphore(%arg11 : memref<!tpu.dma_semaphore, #tpu.memory_space<semaphore_mem>>)
    %add3A_18 = arith.constant 8192 : i32
    %add3A_19 = arith.addi %mul3A_2, %add3A_18 : i32
    "tpu.region"() ({
      %run_scoped3A = tpu.sem_alloc : memref<!tpu.dma_semaphore, #tpu.memory_space<semaphore_mem>>
      %dma_start3A_143 = tpu.memref_slice %arg2[%add3A_19] : memref<1048576xi32, #tpu.memory_space<hbm>> -> memref<4096xi32, #tpu.memory_space<hbm>>
      %dma_start3A_144 = tpu.memref_slice %arg2[%add3A_19] : memref<1048576xi32, #tpu.memory_space<hbm>> -> memref<4096xi32, #tpu.memory_space<hbm>>
      tpu.enqueue_dma source(%dma_start3A_144 : memref<4096xi32, #tpu.memory_space<hbm>>) target(%arg5 : memref<4096xi32, #tpu.memory_space<vmem>>) target_semaphore(%run_scoped3A : memref<!tpu.dma_semaphore, #tpu.memory_space<semaphore_mem>>)
      %dma_wait3A_145 = tpu.memref_slice %arg2[%add3A_19] : memref<1048576xi32, #tpu.memory_space<hbm>> -> memref<4096xi32, #tpu.memory_space<hbm>>
      %dma_wait3A_146 = tpu.memref_slice %arg2[%add3A_19] : memref<1048576xi32, #tpu.memory_space<hbm>> -> memref<4096xi32, #tpu.memory_space<hbm>>
      tpu.wait_dma2 semaphore(%run_scoped3A : memref<!tpu.dma_semaphore, #tpu.memory_space<semaphore_mem>>) src(%dma_wait3A_146 : memref<4096xi32, #tpu.memory_space<hbm>>) dst(%arg5 : memref<4096xi32, #tpu.memory_space<vmem>>)
      tpu.yield
    }) : () -> ()
    %dma_wait3A_20 = arith.constant 0 : i32
    %dma_wait3A_21 = tpu.memref_slice %arg4[%add3A_13, %dma_wait3A_20] : memref<1048576x8xf32, #tpu.memory_space<hbm>> -> memref<4096x8xf32, #tpu.memory_space<hbm>>
    %dma_wait3A_22 = arith.constant 0 : i32
    %dma_wait3A_23 = tpu.memref_slice %arg4[%add3A_13, %dma_wait3A_22] : memref<1048576x8xf32, #tpu.memory_space<hbm>> -> memref<4096x8xf32, #tpu.memory_space<hbm>>
    tpu.wait_dma2 semaphore(%arg11 : memref<!tpu.dma_semaphore, #tpu.memory_space<semaphore_mem>>) src(%arg6 : memref<4096x8xf32, #tpu.memory_space<vmem>>) dst(%dma_wait3A_23 : memref<4096x8xf32, #tpu.memory_space<hbm>>)
    %dma_start3A_24 = arith.constant 0 : i32
    %dma_start3A_25 = arith.constant 0 : i32
    %dma_start3A_26 = tpu.memref_slice %arg3[%dma_start3A_24, %dma_start3A_25] : memref<1000000x8xf32, #tpu.memory_space<hbm>> -> memref<1000000x8xf32, #tpu.memory_space<hbm>>
    tpu.enqueue_indirect_dma source(%dma_start3A_26 : memref<1000000x8xf32, #tpu.memory_space<hbm>>) target(%arg6 : memref<4096x8xf32, #tpu.memory_space<vmem>>) offsets(%arg5 : memref<4096xi32, #tpu.memory_space<vmem>>) semaphore(%arg9 : memref<!tpu.dma_semaphore, #tpu.memory_space<semaphore_mem>>)
    %dma_wait3A_27 = arith.constant 0 : i32
    %dma_wait3A_28 = arith.constant 0 : i32
    %dma_wait3A_29 = tpu.memref_slice %arg3[%dma_wait3A_27, %dma_wait3A_28] : memref<1000000x8xf32, #tpu.memory_space<hbm>> -> memref<1000000x8xf32, #tpu.memory_space<hbm>>
    tpu.wait_indirect_dma semaphore(%arg10 : memref<!tpu.dma_semaphore, #tpu.memory_space<semaphore_mem>>) src(%dma_wait3A_29 : memref<1000000x8xf32, #tpu.memory_space<hbm>>) dst(%arg8 : memref<4096x8xf32, #tpu.memory_space<vmem>>)
    %add3A_30 = arith.constant 4096 : i32
    %add3A_31 = arith.addi %mul3A_2, %add3A_30 : i32
    %dma_start3A_32 = arith.constant 0 : i32
    %dma_start3A_33 = tpu.memref_slice %arg4[%add3A_31, %dma_start3A_32] : memref<1048576x8xf32, #tpu.memory_space<hbm>> -> memref<4096x8xf32, #tpu.memory_space<hbm>>
    %dma_start3A_34 = arith.constant 0 : i32
    %dma_start3A_35 = tpu.memref_slice %arg4[%add3A_31, %dma_start3A_34] : memref<1048576x8xf32, #tpu.memory_space<hbm>> -> memref<4096x8xf32, #tpu.memory_space<hbm>>
    tpu.enqueue_dma source(%arg8 : memref<4096x8xf32, #tpu.memory_space<vmem>>) target(%dma_start3A_35 : memref<4096x8xf32, #tpu.memory_space<hbm>>) target_semaphore(%arg12 : memref<!tpu.dma_semaphore, #tpu.memory_space<semaphore_mem>>)
    %add3A_36 = arith.constant 12288 : i32
    %add3A_37 = arith.addi %mul3A_2, %add3A_36 : i32
    "tpu.region"() ({
      %run_scoped3A = tpu.sem_alloc : memref<!tpu.dma_semaphore, #tpu.memory_space<semaphore_mem>>
      %dma_start3A_143 = tpu.memref_slice %arg2[%add3A_37] : memref<1048576xi32, #tpu.memory_space<hbm>> -> memref<4096xi32, #tpu.memory_space<hbm>>
      %dma_start3A_144 = tpu.memref_slice %arg2[%add3A_37] : memref<1048576xi32, #tpu.memory_space<hbm>> -> memref<4096xi32, #tpu.memory_space<hbm>>
      tpu.enqueue_dma source(%dma_start3A_144 : memref<4096xi32, #tpu.memory_space<hbm>>) target(%arg7 : memref<4096xi32, #tpu.memory_space<vmem>>) target_semaphore(%run_scoped3A : memref<!tpu.dma_semaphore, #tpu.memory_space<semaphore_mem>>)
      %dma_wait3A_145 = tpu.memref_slice %arg2[%add3A_37] : memref<1048576xi32, #tpu.memory_space<hbm>> -> memref<4096xi32, #tpu.memory_space<hbm>>
      %dma_wait3A_146 = tpu.memref_slice %arg2[%add3A_37] : memref<1048576xi32, #tpu.memory_space<hbm>> -> memref<4096xi32, #tpu.memory_space<hbm>>
      tpu.wait_dma2 semaphore(%run_scoped3A : memref<!tpu.dma_semaphore, #tpu.memory_space<semaphore_mem>>) src(%dma_wait3A_146 : memref<4096xi32, #tpu.memory_space<hbm>>) dst(%arg7 : memref<4096xi32, #tpu.memory_space<vmem>>)
      tpu.yield
    }) : () -> ()
    %dma_wait3A_38 = arith.constant 0 : i32
    %dma_wait3A_39 = tpu.memref_slice %arg4[%add3A_31, %dma_wait3A_38] : memref<1048576x8xf32, #tpu.memory_space<hbm>> -> memref<4096x8xf32, #tpu.memory_space<hbm>>
    %dma_wait3A_40 = arith.constant 0 : i32
    %dma_wait3A_41 = tpu.memref_slice %arg4[%add3A_31, %dma_wait3A_40] : memref<1048576x8xf32, #tpu.memory_space<hbm>> -> memref<4096x8xf32, #tpu.memory_space<hbm>>
    tpu.wait_dma2 semaphore(%arg12 : memref<!tpu.dma_semaphore, #tpu.memory_space<semaphore_mem>>) src(%arg8 : memref<4096x8xf32, #tpu.memory_space<vmem>>) dst(%dma_wait3A_41 : memref<4096x8xf32, #tpu.memory_space<hbm>>)
    %dma_start3A_42 = arith.constant 0 : i32
    %dma_start3A_43 = arith.constant 0 : i32
    %dma_start3A_44 = tpu.memref_slice %arg3[%dma_start3A_42, %dma_start3A_43] : memref<1000000x8xf32, #tpu.memory_space<hbm>> -> memref<1000000x8xf32, #tpu.memory_space<hbm>>
    tpu.enqueue_indirect_dma source(%dma_start3A_44 : memref<1000000x8xf32, #tpu.memory_space<hbm>>) target(%arg8 : memref<4096x8xf32, #tpu.memory_space<vmem>>) offsets(%arg7 : memref<4096xi32, #tpu.memory_space<vmem>>) semaphore(%arg10 : memref<!tpu.dma_semaphore, #tpu.memory_space<semaphore_mem>>)
    %dma_wait3A_45 = arith.constant 0 : i32
    %dma_wait3A_46 = arith.constant 0 : i32
    %dma_wait3A_47 = tpu.memref_slice %arg3[%dma_wait3A_45, %dma_wait3A_46] : memref<1000000x8xf32, #tpu.memory_space<hbm>> -> memref<1000000x8xf32, #tpu.memory_space<hbm>>
    tpu.wait_indirect_dma semaphore(%arg9 : memref<!tpu.dma_semaphore, #tpu.memory_space<semaphore_mem>>) src(%dma_wait3A_47 : memref<1000000x8xf32, #tpu.memory_space<hbm>>) dst(%arg6 : memref<4096x8xf32, #tpu.memory_space<vmem>>)
    %add3A_48 = arith.constant 8192 : i32
    %add3A_49 = arith.addi %mul3A_2, %add3A_48 : i32
    %dma_start3A_50 = arith.constant 0 : i32
    %dma_start3A_51 = tpu.memref_slice %arg4[%add3A_49, %dma_start3A_50] : memref<1048576x8xf32, #tpu.memory_space<hbm>> -> memref<4096x8xf32, #tpu.memory_space<hbm>>
    %dma_start3A_52 = arith.constant 0 : i32
    %dma_start3A_53 = tpu.memref_slice %arg4[%add3A_49, %dma_start3A_52] : memref<1048576x8xf32, #tpu.memory_space<hbm>> -> memref<4096x8xf32, #tpu.memory_space<hbm>>
    tpu.enqueue_dma source(%arg6 : memref<4096x8xf32, #tpu.memory_space<vmem>>) target(%dma_start3A_53 : memref<4096x8xf32, #tpu.memory_space<hbm>>) target_semaphore(%arg11 : memref<!tpu.dma_semaphore, #tpu.memory_space<semaphore_mem>>)
    %add3A_54 = arith.constant 16384 : i32
    %add3A_55 = arith.addi %mul3A_2, %add3A_54 : i32
    "tpu.region"() ({
      %run_scoped3A = tpu.sem_alloc : memref<!tpu.dma_semaphore, #tpu.memory_space<semaphore_mem>>
      %dma_start3A_143 = tpu.memref_slice %arg2[%add3A_55] : memref<1048576xi32, #tpu.memory_space<hbm>> -> memref<4096xi32, #tpu.memory_space<hbm>>
      %dma_start3A_144 = tpu.memref_slice %arg2[%add3A_55] : memref<1048576xi32, #tpu.memory_space<hbm>> -> memref<4096xi32, #tpu.memory_space<hbm>>
      tpu.enqueue_dma source(%dma_start3A_144 : memref<4096xi32, #tpu.memory_space<hbm>>) target(%arg5 : memref<4096xi32, #tpu.memory_space<vmem>>) target_semaphore(%run_scoped3A : memref<!tpu.dma_semaphore, #tpu.memory_space<semaphore_mem>>)
      %dma_wait3A_145 = tpu.memref_slice %arg2[%add3A_55] : memref<1048576xi32, #tpu.memory_space<hbm>> -> memref<4096xi32, #tpu.memory_space<hbm>>
      %dma_wait3A_146 = tpu.memref_slice %arg2[%add3A_55] : memref<1048576xi32, #tpu.memory_space<hbm>> -> memref<4096xi32, #tpu.memory_space<hbm>>
      tpu.wait_dma2 semaphore(%run_scoped3A : memref<!tpu.dma_semaphore, #tpu.memory_space<semaphore_mem>>) src(%dma_wait3A_146 : memref<4096xi32, #tpu.memory_space<hbm>>) dst(%arg5 : memref<4096xi32, #tpu.memory_space<vmem>>)
      tpu.yield
    }) : () -> ()
    %dma_wait3A_56 = arith.constant 0 : i32
    %dma_wait3A_57 = tpu.memref_slice %arg4[%add3A_49, %dma_wait3A_56] : memref<1048576x8xf32, #tpu.memory_space<hbm>> -> memref<4096x8xf32, #tpu.memory_space<hbm>>
    %dma_wait3A_58 = arith.constant 0 : i32
    %dma_wait3A_59 = tpu.memref_slice %arg4[%add3A_49, %dma_wait3A_58] : memref<1048576x8xf32, #tpu.memory_space<hbm>> -> memref<4096x8xf32, #tpu.memory_space<hbm>>
    tpu.wait_dma2 semaphore(%arg11 : memref<!tpu.dma_semaphore, #tpu.memory_space<semaphore_mem>>) src(%arg6 : memref<4096x8xf32, #tpu.memory_space<vmem>>) dst(%dma_wait3A_59 : memref<4096x8xf32, #tpu.memory_space<hbm>>)
    %dma_start3A_60 = arith.constant 0 : i32
    %dma_start3A_61 = arith.constant 0 : i32
    %dma_start3A_62 = tpu.memref_slice %arg3[%dma_start3A_60, %dma_start3A_61] : memref<1000000x8xf32, #tpu.memory_space<hbm>> -> memref<1000000x8xf32, #tpu.memory_space<hbm>>
    tpu.enqueue_indirect_dma source(%dma_start3A_62 : memref<1000000x8xf32, #tpu.memory_space<hbm>>) target(%arg6 : memref<4096x8xf32, #tpu.memory_space<vmem>>) offsets(%arg5 : memref<4096xi32, #tpu.memory_space<vmem>>) semaphore(%arg9 : memref<!tpu.dma_semaphore, #tpu.memory_space<semaphore_mem>>)
    %dma_wait3A_63 = arith.constant 0 : i32
    %dma_wait3A_64 = arith.constant 0 : i32
    %dma_wait3A_65 = tpu.memref_slice %arg3[%dma_wait3A_63, %dma_wait3A_64] : memref<1000000x8xf32, #tpu.memory_space<hbm>> -> memref<1000000x8xf32, #tpu.memory_space<hbm>>
    tpu.wait_indirect_dma semaphore(%arg10 : memref<!tpu.dma_semaphore, #tpu.memory_space<semaphore_mem>>) src(%dma_wait3A_65 : memref<1000000x8xf32, #tpu.memory_space<hbm>>) dst(%arg8 : memref<4096x8xf32, #tpu.memory_space<vmem>>)
    %add3A_66 = arith.constant 12288 : i32
    %add3A_67 = arith.addi %mul3A_2, %add3A_66 : i32
    %dma_start3A_68 = arith.constant 0 : i32
    %dma_start3A_69 = tpu.memref_slice %arg4[%add3A_67, %dma_start3A_68] : memref<1048576x8xf32, #tpu.memory_space<hbm>> -> memref<4096x8xf32, #tpu.memory_space<hbm>>
    %dma_start3A_70 = arith.constant 0 : i32
    %dma_start3A_71 = tpu.memref_slice %arg4[%add3A_67, %dma_start3A_70] : memref<1048576x8xf32, #tpu.memory_space<hbm>> -> memref<4096x8xf32, #tpu.memory_space<hbm>>
    tpu.enqueue_dma source(%arg8 : memref<4096x8xf32, #tpu.memory_space<vmem>>) target(%dma_start3A_71 : memref<4096x8xf32, #tpu.memory_space<hbm>>) target_semaphore(%arg12 : memref<!tpu.dma_semaphore, #tpu.memory_space<semaphore_mem>>)
    %add3A_72 = arith.constant 20480 : i32
    %add3A_73 = arith.addi %mul3A_2, %add3A_72 : i32
    "tpu.region"() ({
      %run_scoped3A = tpu.sem_alloc : memref<!tpu.dma_semaphore, #tpu.memory_space<semaphore_mem>>
      %dma_start3A_143 = tpu.memref_slice %arg2[%add3A_73] : memref<1048576xi32, #tpu.memory_space<hbm>> -> memref<4096xi32, #tpu.memory_space<hbm>>
      %dma_start3A_144 = tpu.memref_slice %arg2[%add3A_73] : memref<1048576xi32, #tpu.memory_space<hbm>> -> memref<4096xi32, #tpu.memory_space<hbm>>
      tpu.enqueue_dma source(%dma_start3A_144 : memref<4096xi32, #tpu.memory_space<hbm>>) target(%arg7 : memref<4096xi32, #tpu.memory_space<vmem>>) target_semaphore(%run_scoped3A : memref<!tpu.dma_semaphore, #tpu.memory_space<semaphore_mem>>)
      %dma_wait3A_145 = tpu.memref_slice %arg2[%add3A_73] : memref<1048576xi32, #tpu.memory_space<hbm>> -> memref<4096xi32, #tpu.memory_space<hbm>>
      %dma_wait3A_146 = tpu.memref_slice %arg2[%add3A_73] : memref<1048576xi32, #tpu.memory_space<hbm>> -> memref<4096xi32, #tpu.memory_space<hbm>>
      tpu.wait_dma2 semaphore(%run_scoped3A : memref<!tpu.dma_semaphore, #tpu.memory_space<semaphore_mem>>) src(%dma_wait3A_146 : memref<4096xi32, #tpu.memory_space<hbm>>) dst(%arg7 : memref<4096xi32, #tpu.memory_space<vmem>>)
      tpu.yield
    }) : () -> ()
    %dma_wait3A_74 = arith.constant 0 : i32
    %dma_wait3A_75 = tpu.memref_slice %arg4[%add3A_67, %dma_wait3A_74] : memref<1048576x8xf32, #tpu.memory_space<hbm>> -> memref<4096x8xf32, #tpu.memory_space<hbm>>
    %dma_wait3A_76 = arith.constant 0 : i32
    %dma_wait3A_77 = tpu.memref_slice %arg4[%add3A_67, %dma_wait3A_76] : memref<1048576x8xf32, #tpu.memory_space<hbm>> -> memref<4096x8xf32, #tpu.memory_space<hbm>>
    tpu.wait_dma2 semaphore(%arg12 : memref<!tpu.dma_semaphore, #tpu.memory_space<semaphore_mem>>) src(%arg8 : memref<4096x8xf32, #tpu.memory_space<vmem>>) dst(%dma_wait3A_77 : memref<4096x8xf32, #tpu.memory_space<hbm>>)
    %dma_start3A_78 = arith.constant 0 : i32
    %dma_start3A_79 = arith.constant 0 : i32
    %dma_start3A_80 = tpu.memref_slice %arg3[%dma_start3A_78, %dma_start3A_79] : memref<1000000x8xf32, #tpu.memory_space<hbm>> -> memref<1000000x8xf32, #tpu.memory_space<hbm>>
    tpu.enqueue_indirect_dma source(%dma_start3A_80 : memref<1000000x8xf32, #tpu.memory_space<hbm>>) target(%arg8 : memref<4096x8xf32, #tpu.memory_space<vmem>>) offsets(%arg7 : memref<4096xi32, #tpu.memory_space<vmem>>) semaphore(%arg10 : memref<!tpu.dma_semaphore, #tpu.memory_space<semaphore_mem>>)
    %dma_wait3A_81 = arith.constant 0 : i32
    %dma_wait3A_82 = arith.constant 0 : i32
    %dma_wait3A_83 = tpu.memref_slice %arg3[%dma_wait3A_81, %dma_wait3A_82] : memref<1000000x8xf32, #tpu.memory_space<hbm>> -> memref<1000000x8xf32, #tpu.memory_space<hbm>>
    tpu.wait_indirect_dma semaphore(%arg9 : memref<!tpu.dma_semaphore, #tpu.memory_space<semaphore_mem>>) src(%dma_wait3A_83 : memref<1000000x8xf32, #tpu.memory_space<hbm>>) dst(%arg6 : memref<4096x8xf32, #tpu.memory_space<vmem>>)
    %add3A_84 = arith.constant 16384 : i32
    %add3A_85 = arith.addi %mul3A_2, %add3A_84 : i32
    %dma_start3A_86 = arith.constant 0 : i32
    %dma_start3A_87 = tpu.memref_slice %arg4[%add3A_85, %dma_start3A_86] : memref<1048576x8xf32, #tpu.memory_space<hbm>> -> memref<4096x8xf32, #tpu.memory_space<hbm>>
    %dma_start3A_88 = arith.constant 0 : i32
    %dma_start3A_89 = tpu.memref_slice %arg4[%add3A_85, %dma_start3A_88] : memref<1048576x8xf32, #tpu.memory_space<hbm>> -> memref<4096x8xf32, #tpu.memory_space<hbm>>
    tpu.enqueue_dma source(%arg6 : memref<4096x8xf32, #tpu.memory_space<vmem>>) target(%dma_start3A_89 : memref<4096x8xf32, #tpu.memory_space<hbm>>) target_semaphore(%arg11 : memref<!tpu.dma_semaphore, #tpu.memory_space<semaphore_mem>>)
    %add3A_90 = arith.constant 24576 : i32
    %add3A_91 = arith.addi %mul3A_2, %add3A_90 : i32
    "tpu.region"() ({
      %run_scoped3A = tpu.sem_alloc : memref<!tpu.dma_semaphore, #tpu.memory_space<semaphore_mem>>
      %dma_start3A_143 = tpu.memref_slice %arg2[%add3A_91] : memref<1048576xi32, #tpu.memory_space<hbm>> -> memref<4096xi32, #tpu.memory_space<hbm>>
      %dma_start3A_144 = tpu.memref_slice %arg2[%add3A_91] : memref<1048576xi32, #tpu.memory_space<hbm>> -> memref<4096xi32, #tpu.memory_space<hbm>>
      tpu.enqueue_dma source(%dma_start3A_144 : memref<4096xi32, #tpu.memory_space<hbm>>) target(%arg5 : memref<4096xi32, #tpu.memory_space<vmem>>) target_semaphore(%run_scoped3A : memref<!tpu.dma_semaphore, #tpu.memory_space<semaphore_mem>>)
      %dma_wait3A_145 = tpu.memref_slice %arg2[%add3A_91] : memref<1048576xi32, #tpu.memory_space<hbm>> -> memref<4096xi32, #tpu.memory_space<hbm>>
      %dma_wait3A_146 = tpu.memref_slice %arg2[%add3A_91] : memref<1048576xi32, #tpu.memory_space<hbm>> -> memref<4096xi32, #tpu.memory_space<hbm>>
      tpu.wait_dma2 semaphore(%run_scoped3A : memref<!tpu.dma_semaphore, #tpu.memory_space<semaphore_mem>>) src(%dma_wait3A_146 : memref<4096xi32, #tpu.memory_space<hbm>>) dst(%arg5 : memref<4096xi32, #tpu.memory_space<vmem>>)
      tpu.yield
    }) : () -> ()
    %dma_wait3A_92 = arith.constant 0 : i32
    %dma_wait3A_93 = tpu.memref_slice %arg4[%add3A_85, %dma_wait3A_92] : memref<1048576x8xf32, #tpu.memory_space<hbm>> -> memref<4096x8xf32, #tpu.memory_space<hbm>>
    %dma_wait3A_94 = arith.constant 0 : i32
    %dma_wait3A_95 = tpu.memref_slice %arg4[%add3A_85, %dma_wait3A_94] : memref<1048576x8xf32, #tpu.memory_space<hbm>> -> memref<4096x8xf32, #tpu.memory_space<hbm>>
    tpu.wait_dma2 semaphore(%arg11 : memref<!tpu.dma_semaphore, #tpu.memory_space<semaphore_mem>>) src(%arg6 : memref<4096x8xf32, #tpu.memory_space<vmem>>) dst(%dma_wait3A_95 : memref<4096x8xf32, #tpu.memory_space<hbm>>)
    %dma_start3A_96 = arith.constant 0 : i32
    %dma_start3A_97 = arith.constant 0 : i32
    %dma_start3A_98 = tpu.memref_slice %arg3[%dma_start3A_96, %dma_start3A_97] : memref<1000000x8xf32, #tpu.memory_space<hbm>> -> memref<1000000x8xf32, #tpu.memory_space<hbm>>
    tpu.enqueue_indirect_dma source(%dma_start3A_98 : memref<1000000x8xf32, #tpu.memory_space<hbm>>) target(%arg6 : memref<4096x8xf32, #tpu.memory_space<vmem>>) offsets(%arg5 : memref<4096xi32, #tpu.memory_space<vmem>>) semaphore(%arg9 : memref<!tpu.dma_semaphore, #tpu.memory_space<semaphore_mem>>)
    %dma_wait3A_99 = arith.constant 0 : i32
    %dma_wait3A_100 = arith.constant 0 : i32
    %dma_wait3A_101 = tpu.memref_slice %arg3[%dma_wait3A_99, %dma_wait3A_100] : memref<1000000x8xf32, #tpu.memory_space<hbm>> -> memref<1000000x8xf32, #tpu.memory_space<hbm>>
    tpu.wait_indirect_dma semaphore(%arg10 : memref<!tpu.dma_semaphore, #tpu.memory_space<semaphore_mem>>) src(%dma_wait3A_101 : memref<1000000x8xf32, #tpu.memory_space<hbm>>) dst(%arg8 : memref<4096x8xf32, #tpu.memory_space<vmem>>)
    %add3A_102 = arith.constant 20480 : i32
    %add3A_103 = arith.addi %mul3A_2, %add3A_102 : i32
    %dma_start3A_104 = arith.constant 0 : i32
    %dma_start3A_105 = tpu.memref_slice %arg4[%add3A_103, %dma_start3A_104] : memref<1048576x8xf32, #tpu.memory_space<hbm>> -> memref<4096x8xf32, #tpu.memory_space<hbm>>
    %dma_start3A_106 = arith.constant 0 : i32
    %dma_start3A_107 = tpu.memref_slice %arg4[%add3A_103, %dma_start3A_106] : memref<1048576x8xf32, #tpu.memory_space<hbm>> -> memref<4096x8xf32, #tpu.memory_space<hbm>>
    tpu.enqueue_dma source(%arg8 : memref<4096x8xf32, #tpu.memory_space<vmem>>) target(%dma_start3A_107 : memref<4096x8xf32, #tpu.memory_space<hbm>>) target_semaphore(%arg12 : memref<!tpu.dma_semaphore, #tpu.memory_space<semaphore_mem>>)
    %add3A_108 = arith.constant 28672 : i32
    %add3A_109 = arith.addi %mul3A_2, %add3A_108 : i32
    "tpu.region"() ({
      %run_scoped3A = tpu.sem_alloc : memref<!tpu.dma_semaphore, #tpu.memory_space<semaphore_mem>>
      %dma_start3A_143 = tpu.memref_slice %arg2[%add3A_109] : memref<1048576xi32, #tpu.memory_space<hbm>> -> memref<4096xi32, #tpu.memory_space<hbm>>
      %dma_start3A_144 = tpu.memref_slice %arg2[%add3A_109] : memref<1048576xi32, #tpu.memory_space<hbm>> -> memref<4096xi32, #tpu.memory_space<hbm>>
      tpu.enqueue_dma source(%dma_start3A_144 : memref<4096xi32, #tpu.memory_space<hbm>>) target(%arg7 : memref<4096xi32, #tpu.memory_space<vmem>>) target_semaphore(%run_scoped3A : memref<!tpu.dma_semaphore, #tpu.memory_space<semaphore_mem>>)
      %dma_wait3A_145 = tpu.memref_slice %arg2[%add3A_109] : memref<1048576xi32, #tpu.memory_space<hbm>> -> memref<4096xi32, #tpu.memory_space<hbm>>
      %dma_wait3A_146 = tpu.memref_slice %arg2[%add3A_109] : memref<1048576xi32, #tpu.memory_space<hbm>> -> memref<4096xi32, #tpu.memory_space<hbm>>
      tpu.wait_dma2 semaphore(%run_scoped3A : memref<!tpu.dma_semaphore, #tpu.memory_space<semaphore_mem>>) src(%dma_wait3A_146 : memref<4096xi32, #tpu.memory_space<hbm>>) dst(%arg7 : memref<4096xi32, #tpu.memory_space<vmem>>)
      tpu.yield
    }) : () -> ()
    %dma_wait3A_110 = arith.constant 0 : i32
    %dma_wait3A_111 = tpu.memref_slice %arg4[%add3A_103, %dma_wait3A_110] : memref<1048576x8xf32, #tpu.memory_space<hbm>> -> memref<4096x8xf32, #tpu.memory_space<hbm>>
    %dma_wait3A_112 = arith.constant 0 : i32
    %dma_wait3A_113 = tpu.memref_slice %arg4[%add3A_103, %dma_wait3A_112] : memref<1048576x8xf32, #tpu.memory_space<hbm>> -> memref<4096x8xf32, #tpu.memory_space<hbm>>
    tpu.wait_dma2 semaphore(%arg12 : memref<!tpu.dma_semaphore, #tpu.memory_space<semaphore_mem>>) src(%arg8 : memref<4096x8xf32, #tpu.memory_space<vmem>>) dst(%dma_wait3A_113 : memref<4096x8xf32, #tpu.memory_space<hbm>>)
    %dma_start3A_114 = arith.constant 0 : i32
    %dma_start3A_115 = arith.constant 0 : i32
    %dma_start3A_116 = tpu.memref_slice %arg3[%dma_start3A_114, %dma_start3A_115] : memref<1000000x8xf32, #tpu.memory_space<hbm>> -> memref<1000000x8xf32, #tpu.memory_space<hbm>>
    tpu.enqueue_indirect_dma source(%dma_start3A_116 : memref<1000000x8xf32, #tpu.memory_space<hbm>>) target(%arg8 : memref<4096x8xf32, #tpu.memory_space<vmem>>) offsets(%arg7 : memref<4096xi32, #tpu.memory_space<vmem>>) semaphore(%arg10 : memref<!tpu.dma_semaphore, #tpu.memory_space<semaphore_mem>>)
    %dma_wait3A_117 = arith.constant 0 : i32
    %dma_wait3A_118 = arith.constant 0 : i32
    %dma_wait3A_119 = tpu.memref_slice %arg3[%dma_wait3A_117, %dma_wait3A_118] : memref<1000000x8xf32, #tpu.memory_space<hbm>> -> memref<1000000x8xf32, #tpu.memory_space<hbm>>
    tpu.wait_indirect_dma semaphore(%arg9 : memref<!tpu.dma_semaphore, #tpu.memory_space<semaphore_mem>>) src(%dma_wait3A_119 : memref<1000000x8xf32, #tpu.memory_space<hbm>>) dst(%arg6 : memref<4096x8xf32, #tpu.memory_space<vmem>>)
    %add3A_120 = arith.constant 24576 : i32
    %add3A_121 = arith.addi %mul3A_2, %add3A_120 : i32
    %dma_start3A_122 = arith.constant 0 : i32
    %dma_start3A_123 = tpu.memref_slice %arg4[%add3A_121, %dma_start3A_122] : memref<1048576x8xf32, #tpu.memory_space<hbm>> -> memref<4096x8xf32, #tpu.memory_space<hbm>>
    %dma_start3A_124 = arith.constant 0 : i32
    %dma_start3A_125 = tpu.memref_slice %arg4[%add3A_121, %dma_start3A_124] : memref<1048576x8xf32, #tpu.memory_space<hbm>> -> memref<4096x8xf32, #tpu.memory_space<hbm>>
    tpu.enqueue_dma source(%arg6 : memref<4096x8xf32, #tpu.memory_space<vmem>>) target(%dma_start3A_125 : memref<4096x8xf32, #tpu.memory_space<hbm>>) target_semaphore(%arg11 : memref<!tpu.dma_semaphore, #tpu.memory_space<semaphore_mem>>)
    %dma_wait3A_126 = arith.constant 0 : i32
    %dma_wait3A_127 = arith.constant 0 : i32
    %dma_wait3A_128 = tpu.memref_slice %arg3[%dma_wait3A_126, %dma_wait3A_127] : memref<1000000x8xf32, #tpu.memory_space<hbm>> -> memref<1000000x8xf32, #tpu.memory_space<hbm>>
    tpu.wait_indirect_dma semaphore(%arg10 : memref<!tpu.dma_semaphore, #tpu.memory_space<semaphore_mem>>) src(%dma_wait3A_128 : memref<1000000x8xf32, #tpu.memory_space<hbm>>) dst(%arg8 : memref<4096x8xf32, #tpu.memory_space<vmem>>)
    %add3A_129 = arith.constant 28672 : i32
    %add3A_130 = arith.addi %mul3A_2, %add3A_129 : i32
    %dma_start3A_131 = arith.constant 0 : i32
    %dma_start3A_132 = tpu.memref_slice %arg4[%add3A_130, %dma_start3A_131] : memref<1048576x8xf32, #tpu.memory_space<hbm>> -> memref<4096x8xf32, #tpu.memory_space<hbm>>
    %dma_start3A_133 = arith.constant 0 : i32
    %dma_start3A_134 = tpu.memref_slice %arg4[%add3A_130, %dma_start3A_133] : memref<1048576x8xf32, #tpu.memory_space<hbm>> -> memref<4096x8xf32, #tpu.memory_space<hbm>>
    tpu.enqueue_dma source(%arg8 : memref<4096x8xf32, #tpu.memory_space<vmem>>) target(%dma_start3A_134 : memref<4096x8xf32, #tpu.memory_space<hbm>>) target_semaphore(%arg12 : memref<!tpu.dma_semaphore, #tpu.memory_space<semaphore_mem>>)
    %dma_wait3A_135 = arith.constant 0 : i32
    %dma_wait3A_136 = tpu.memref_slice %arg4[%add3A_121, %dma_wait3A_135] : memref<1048576x8xf32, #tpu.memory_space<hbm>> -> memref<4096x8xf32, #tpu.memory_space<hbm>>
    %dma_wait3A_137 = arith.constant 0 : i32
    %dma_wait3A_138 = tpu.memref_slice %arg4[%add3A_121, %dma_wait3A_137] : memref<1048576x8xf32, #tpu.memory_space<hbm>> -> memref<4096x8xf32, #tpu.memory_space<hbm>>
    tpu.wait_dma2 semaphore(%arg11 : memref<!tpu.dma_semaphore, #tpu.memory_space<semaphore_mem>>) src(%arg6 : memref<4096x8xf32, #tpu.memory_space<vmem>>) dst(%dma_wait3A_138 : memref<4096x8xf32, #tpu.memory_space<hbm>>)
    %dma_wait3A_139 = arith.constant 0 : i32
    %dma_wait3A_140 = tpu.memref_slice %arg4[%add3A_130, %dma_wait3A_139] : memref<1048576x8xf32, #tpu.memory_space<hbm>> -> memref<4096x8xf32, #tpu.memory_space<hbm>>
    %dma_wait3A_141 = arith.constant 0 : i32
    %dma_wait3A_142 = tpu.memref_slice %arg4[%add3A_130, %dma_wait3A_141] : memref<1048576x8xf32, #tpu.memory_space<hbm>> -> memref<4096x8xf32, #tpu.memory_space<hbm>>
    tpu.wait_dma2 semaphore(%arg12 : memref<!tpu.dma_semaphore, #tpu.memory_space<semaphore_mem>>) src(%arg8 : memref<4096x8xf32, #tpu.memory_space<vmem>>) dst(%dma_wait3A_142 : memref<4096x8xf32, #tpu.memory_space<hbm>>)
    return
  }
}

module attributes {stable_mosaic.version = 14 : i64} {
  func.func @mlp_kernel(%arg0: i32, %arg1: memref<512x64xi32, #tpu.memory_space<vmem>>, %arg2: memref<2048x128xf32, #tpu.memory_space<vmem>>, %arg3: memref<64x512xbf16, #tpu.memory_space<vmem>>, %arg4: memref<512x512xbf16, #tpu.memory_space<vmem>>, %arg5: memref<1x512xf32, #tpu.memory_space<vmem>>, %arg6: memref<512x512xbf16, #tpu.memory_space<vmem>>, %arg7: memref<1x512xf32, #tpu.memory_space<vmem>>, %arg8: memref<512x256xbf16, #tpu.memory_space<vmem>>, %arg9: memref<1x256xf32, #tpu.memory_space<vmem>>, %arg10: memref<256x128xbf16, #tpu.memory_space<vmem>>, %arg11: memref<1x128xf32, #tpu.memory_space<vmem>>, %arg12: memref<128x2xbf16, #tpu.memory_space<vmem>>, %arg13: memref<1x2xf32, #tpu.memory_space<vmem>>, %arg14: memref<512x2xf32, #tpu.memory_space<vmem>>) attributes {dimension_semantics = [#tpu.dimension_semantics<arbitrary>], iteration_bounds = array<i64: 32>, scalar_prefetch = 0 : i64, scratch_operands = 0 : i64, tpu.core_type = #tpu.core_type<tc>, window_params = [{transform_indices = @transform_0, window_bounds = array<i64: 512, 64>}, {transform_indices = @transform_1, window_bounds = array<i64: 2048, 128>}, {pipeline_mode = #tpu.pipeline_mode<synchronous>, transform_indices = @transform_2, window_bounds = array<i64: 64, 512>}, {pipeline_mode = #tpu.pipeline_mode<synchronous>, transform_indices = @transform_3, window_bounds = array<i64: 512, 512>}, {pipeline_mode = #tpu.pipeline_mode<synchronous>, transform_indices = @transform_4, window_bounds = array<i64: 1, 512>}, {pipeline_mode = #tpu.pipeline_mode<synchronous>, transform_indices = @transform_5, window_bounds = array<i64: 512, 512>}, {pipeline_mode = #tpu.pipeline_mode<synchronous>, transform_indices = @transform_6, window_bounds = array<i64: 1, 512>}, {pipeline_mode = #tpu.pipeline_mode<synchronous>, transform_indices = @transform_7, window_bounds = array<i64: 512, 256>}, {pipeline_mode = #tpu.pipeline_mode<synchronous>, transform_indices = @transform_8, window_bounds = array<i64: 1, 256>}, {pipeline_mode = #tpu.pipeline_mode<synchronous>, transform_indices = @transform_9, window_bounds = array<i64: 256, 128>}, {pipeline_mode = #tpu.pipeline_mode<synchronous>, transform_indices = @transform_10, window_bounds = array<i64: 1, 128>}, {pipeline_mode = #tpu.pipeline_mode<synchronous>, transform_indices = @transform_11, window_bounds = array<i64: 128, 2>}, {pipeline_mode = #tpu.pipeline_mode<synchronous>, transform_indices = @transform_12, window_bounds = array<i64: 1, 2>}, {transform_indices = @transform_13, window_bounds = array<i64: 512, 2>}]} {
    %get3A = arith.constant 0 : index
    %get3A_0 = arith.constant 0 : index
    %get3A_1 = vector.load %arg1[%get3A, %get3A_0] : memref<512x64xi32, #tpu.memory_space<vmem>>, vector<512x64xi32>
    %ne3A = arith.constant 0 : i32
    %ne3A_2 = vector.broadcast %ne3A : i32 to vector<512x64xi32>
    %ne3A_3 = arith.cmpi ne, %get3A_1, %ne3A_2 : vector<512x64xi32>
    %convert_element_type3A = arith.extui %ne3A_3 : vector<512x64xi1> to vector<512x64xi32>
    %convert_element_type3A_4 = arith.sitofp %convert_element_type3A : vector<512x64xi32> to vector<512x64xf32>
    %convert_element_type3A_5 = arith.truncf %convert_element_type3A_4 : vector<512x64xf32> to vector<512x64xbf16>
    %get3A_6 = arith.constant 0 : index
    %get3A_7 = arith.constant 0 : index
    %get3A_8 = vector.load %arg3[%get3A_6, %get3A_7] : memref<64x512xbf16, #tpu.memory_space<vmem>>, vector<64x512xbf16>
    %dot_general3A = arith.constant dense<0.000000e+00> : vector<512x512xf32>
    %dot_general3A_9 = tpu.matmul %convert_element_type3A_5, %get3A_8, %dot_general3A {dimension_numbers = #tpu.dot_dimension_numbers<[1], [0], [0], [1], [0, 0, 1, 1], [], []>, transpose_lhs_hint = false} : vector<512x64xbf16>, vector<64x512xbf16>, vector<512x512xf32> -> vector<512x512xf32>
    %get3A_10 = arith.constant 0 : index
    %get3A_11 = arith.constant 0 : index
    %get3A_12 = vector.load %arg2[%get3A_10, %get3A_11] : memref<2048x128xf32, #tpu.memory_space<vmem>>, vector<2048x128xf32>
    %reshape3A = vector.shape_cast %get3A_12 : vector<2048x128xf32> to vector<64x4x8x128xf32>
    %slice3A = vector.extract_strided_slice %reshape3A {offsets = [0, 0, 0, 0], sizes = [64, 1, 8, 128], strides = [1, 1, 1, 1]} : vector<64x4x8x128xf32> to vector<64x1x8x128xf32>
    %squeeze3A = vector.shape_cast %slice3A : vector<64x1x8x128xf32> to vector<64x8x128xf32>
    %reshape3A_13 = vector.shape_cast %squeeze3A : vector<64x8x128xf32> to vector<512x128xf32>
    %slice3A_14 = vector.extract_strided_slice %dot_general3A_9 {offsets = [0, 0], sizes = [512, 128], strides = [1, 1]} : vector<512x512xf32> to vector<512x128xf32>
    %mul3A = arith.mulf %reshape3A_13, %slice3A_14 : vector<512x128xf32>
    %convert_element_type3A_15 = arith.truncf %mul3A : vector<512x128xf32> to vector<512x128xbf16>
    %get3A_16 = arith.constant 0 : index
    %get3A_17 = arith.constant 0 : index
    %get3A_18 = vector.load %arg4[%get3A_16, %get3A_17] : memref<512x512xbf16, #tpu.memory_space<vmem>>, vector<128x512xbf16>
    %dot_general3A_19 = arith.constant dense<0.000000e+00> : vector<512x512xf32>
    %dot_general3A_20 = tpu.matmul %convert_element_type3A_15, %get3A_18, %dot_general3A_19 {dimension_numbers = #tpu.dot_dimension_numbers<[1], [0], [0], [1], [0, 0, 1, 1], [], []>, transpose_lhs_hint = false} : vector<512x128xbf16>, vector<128x512xbf16>, vector<512x512xf32> -> vector<512x512xf32>
    %slice3A_21 = vector.extract_strided_slice %reshape3A {offsets = [0, 1, 0, 0], sizes = [64, 1, 8, 128], strides = [1, 1, 1, 1]} : vector<64x4x8x128xf32> to vector<64x1x8x128xf32>
    %squeeze3A_22 = vector.shape_cast %slice3A_21 : vector<64x1x8x128xf32> to vector<64x8x128xf32>
    %reshape3A_23 = vector.shape_cast %squeeze3A_22 : vector<64x8x128xf32> to vector<512x128xf32>
    %slice3A_24 = vector.extract_strided_slice %dot_general3A_9 {offsets = [0, 128], sizes = [512, 128], strides = [1, 1]} : vector<512x512xf32> to vector<512x128xf32>
    %mul3A_25 = arith.mulf %reshape3A_23, %slice3A_24 : vector<512x128xf32>
    %convert_element_type3A_26 = arith.truncf %mul3A_25 : vector<512x128xf32> to vector<512x128xbf16>
    %get3A_27 = arith.constant 128 : index
    %get3A_28 = arith.constant 0 : index
    %get3A_29 = vector.load %arg4[%get3A_27, %get3A_28] : memref<512x512xbf16, #tpu.memory_space<vmem>>, vector<128x512xbf16>
    %dot_general3A_30 = arith.constant dense<0.000000e+00> : vector<512x512xf32>
    %dot_general3A_31 = tpu.matmul %convert_element_type3A_26, %get3A_29, %dot_general3A_30 {dimension_numbers = #tpu.dot_dimension_numbers<[1], [0], [0], [1], [0, 0, 1, 1], [], []>, transpose_lhs_hint = false} : vector<512x128xbf16>, vector<128x512xbf16>, vector<512x512xf32> -> vector<512x512xf32>
    %add3A = arith.addf %dot_general3A_20, %dot_general3A_31 : vector<512x512xf32>
    %slice3A_32 = vector.extract_strided_slice %reshape3A {offsets = [0, 2, 0, 0], sizes = [64, 1, 8, 128], strides = [1, 1, 1, 1]} : vector<64x4x8x128xf32> to vector<64x1x8x128xf32>
    %squeeze3A_33 = vector.shape_cast %slice3A_32 : vector<64x1x8x128xf32> to vector<64x8x128xf32>
    %reshape3A_34 = vector.shape_cast %squeeze3A_33 : vector<64x8x128xf32> to vector<512x128xf32>
    %slice3A_35 = vector.extract_strided_slice %dot_general3A_9 {offsets = [0, 256], sizes = [512, 128], strides = [1, 1]} : vector<512x512xf32> to vector<512x128xf32>
    %mul3A_36 = arith.mulf %reshape3A_34, %slice3A_35 : vector<512x128xf32>
    %convert_element_type3A_37 = arith.truncf %mul3A_36 : vector<512x128xf32> to vector<512x128xbf16>
    %get3A_38 = arith.constant 256 : index
    %get3A_39 = arith.constant 0 : index
    %get3A_40 = vector.load %arg4[%get3A_38, %get3A_39] : memref<512x512xbf16, #tpu.memory_space<vmem>>, vector<128x512xbf16>
    %dot_general3A_41 = arith.constant dense<0.000000e+00> : vector<512x512xf32>
    %dot_general3A_42 = tpu.matmul %convert_element_type3A_37, %get3A_40, %dot_general3A_41 {dimension_numbers = #tpu.dot_dimension_numbers<[1], [0], [0], [1], [0, 0, 1, 1], [], []>, transpose_lhs_hint = false} : vector<512x128xbf16>, vector<128x512xbf16>, vector<512x512xf32> -> vector<512x512xf32>
    %add3A_43 = arith.addf %add3A, %dot_general3A_42 : vector<512x512xf32>
    %slice3A_44 = vector.extract_strided_slice %reshape3A {offsets = [0, 3, 0, 0], sizes = [64, 1, 8, 128], strides = [1, 1, 1, 1]} : vector<64x4x8x128xf32> to vector<64x1x8x128xf32>
    %squeeze3A_45 = vector.shape_cast %slice3A_44 : vector<64x1x8x128xf32> to vector<64x8x128xf32>
    %reshape3A_46 = vector.shape_cast %squeeze3A_45 : vector<64x8x128xf32> to vector<512x128xf32>
    %slice3A_47 = vector.extract_strided_slice %dot_general3A_9 {offsets = [0, 384], sizes = [512, 128], strides = [1, 1]} : vector<512x512xf32> to vector<512x128xf32>
    %mul3A_48 = arith.mulf %reshape3A_46, %slice3A_47 : vector<512x128xf32>
    %convert_element_type3A_49 = arith.truncf %mul3A_48 : vector<512x128xf32> to vector<512x128xbf16>
    %get3A_50 = arith.constant 384 : index
    %get3A_51 = arith.constant 0 : index
    %get3A_52 = vector.load %arg4[%get3A_50, %get3A_51] : memref<512x512xbf16, #tpu.memory_space<vmem>>, vector<128x512xbf16>
    %dot_general3A_53 = arith.constant dense<0.000000e+00> : vector<512x512xf32>
    %dot_general3A_54 = tpu.matmul %convert_element_type3A_49, %get3A_52, %dot_general3A_53 {dimension_numbers = #tpu.dot_dimension_numbers<[1], [0], [0], [1], [0, 0, 1, 1], [], []>, transpose_lhs_hint = false} : vector<512x128xbf16>, vector<128x512xbf16>, vector<512x512xf32> -> vector<512x512xf32>
    %add3A_55 = arith.addf %add3A_43, %dot_general3A_54 : vector<512x512xf32>
    %get3A_56 = arith.constant 0 : index
    %get3A_57 = arith.constant 0 : index
    %get3A_58 = vector.load %arg5[%get3A_56, %get3A_57] : memref<1x512xf32, #tpu.memory_space<vmem>>, vector<1x512xf32>
    %add3A_59 = vector.broadcast %get3A_58 : vector<1x512xf32> to vector<512x512xf32>
    %add3A_60 = arith.addf %add3A_55, %add3A_59 : vector<512x512xf32>
    %max3A = arith.constant 0.000000e+00 : f32
    %max3A_61 = vector.broadcast %max3A : f32 to vector<512x512xf32>
    %max3A_62 = arith.maximumf %add3A_60, %max3A_61 : vector<512x512xf32>
    %convert_element_type3A_63 = arith.truncf %max3A_62 : vector<512x512xf32> to vector<512x512xbf16>
    %get3A_64 = arith.constant 0 : index
    %get3A_65 = arith.constant 0 : index
    %get3A_66 = vector.load %arg6[%get3A_64, %get3A_65] : memref<512x512xbf16, #tpu.memory_space<vmem>>, vector<512x512xbf16>
    %dot_general3A_67 = arith.constant dense<0.000000e+00> : vector<512x512xf32>
    %dot_general3A_68 = tpu.matmul %convert_element_type3A_63, %get3A_66, %dot_general3A_67 {dimension_numbers = #tpu.dot_dimension_numbers<[1], [0], [0], [1], [0, 0, 1, 1], [], []>, transpose_lhs_hint = false} : vector<512x512xbf16>, vector<512x512xbf16>, vector<512x512xf32> -> vector<512x512xf32>
    %get3A_69 = arith.constant 0 : index
    %get3A_70 = arith.constant 0 : index
    %get3A_71 = vector.load %arg7[%get3A_69, %get3A_70] : memref<1x512xf32, #tpu.memory_space<vmem>>, vector<1x512xf32>
    %add3A_72 = vector.broadcast %get3A_71 : vector<1x512xf32> to vector<512x512xf32>
    %add3A_73 = arith.addf %dot_general3A_68, %add3A_72 : vector<512x512xf32>
    %max3A_74 = arith.constant 0.000000e+00 : f32
    %max3A_75 = vector.broadcast %max3A_74 : f32 to vector<512x512xf32>
    %max3A_76 = arith.maximumf %add3A_73, %max3A_75 : vector<512x512xf32>
    %convert_element_type3A_77 = arith.truncf %max3A_76 : vector<512x512xf32> to vector<512x512xbf16>
    %get3A_78 = arith.constant 0 : index
    %get3A_79 = arith.constant 0 : index
    %get3A_80 = vector.load %arg8[%get3A_78, %get3A_79] : memref<512x256xbf16, #tpu.memory_space<vmem>>, vector<512x256xbf16>
    %dot_general3A_81 = arith.constant dense<0.000000e+00> : vector<512x256xf32>
    %dot_general3A_82 = tpu.matmul %convert_element_type3A_77, %get3A_80, %dot_general3A_81 {dimension_numbers = #tpu.dot_dimension_numbers<[1], [0], [0], [1], [0, 0, 1, 1], [], []>, transpose_lhs_hint = false} : vector<512x512xbf16>, vector<512x256xbf16>, vector<512x256xf32> -> vector<512x256xf32>
    %get3A_83 = arith.constant 0 : index
    %get3A_84 = arith.constant 0 : index
    %get3A_85 = vector.load %arg9[%get3A_83, %get3A_84] : memref<1x256xf32, #tpu.memory_space<vmem>>, vector<1x256xf32>
    %add3A_86 = vector.broadcast %get3A_85 : vector<1x256xf32> to vector<512x256xf32>
    %add3A_87 = arith.addf %dot_general3A_82, %add3A_86 : vector<512x256xf32>
    %max3A_88 = arith.constant 0.000000e+00 : f32
    %max3A_89 = vector.broadcast %max3A_88 : f32 to vector<512x256xf32>
    %max3A_90 = arith.maximumf %add3A_87, %max3A_89 : vector<512x256xf32>
    %convert_element_type3A_91 = arith.truncf %max3A_90 : vector<512x256xf32> to vector<512x256xbf16>
    %get3A_92 = arith.constant 0 : index
    %get3A_93 = arith.constant 0 : index
    %get3A_94 = vector.load %arg10[%get3A_92, %get3A_93] : memref<256x128xbf16, #tpu.memory_space<vmem>>, vector<256x128xbf16>
    %dot_general3A_95 = arith.constant dense<0.000000e+00> : vector<512x128xf32>
    %dot_general3A_96 = tpu.matmul %convert_element_type3A_91, %get3A_94, %dot_general3A_95 {dimension_numbers = #tpu.dot_dimension_numbers<[1], [0], [0], [1], [0, 0, 1, 1], [], []>, transpose_lhs_hint = false} : vector<512x256xbf16>, vector<256x128xbf16>, vector<512x128xf32> -> vector<512x128xf32>
    %get3A_97 = arith.constant 0 : index
    %get3A_98 = arith.constant 0 : index
    %get3A_99 = vector.load %arg11[%get3A_97, %get3A_98] : memref<1x128xf32, #tpu.memory_space<vmem>>, vector<1x128xf32>
    %add3A_100 = vector.broadcast %get3A_99 : vector<1x128xf32> to vector<512x128xf32>
    %add3A_101 = arith.addf %dot_general3A_96, %add3A_100 : vector<512x128xf32>
    %max3A_102 = arith.constant 0.000000e+00 : f32
    %max3A_103 = vector.broadcast %max3A_102 : f32 to vector<512x128xf32>
    %max3A_104 = arith.maximumf %add3A_101, %max3A_103 : vector<512x128xf32>
    %convert_element_type3A_105 = arith.truncf %max3A_104 : vector<512x128xf32> to vector<512x128xbf16>
    %get3A_106 = arith.constant 0 : index
    %get3A_107 = arith.constant 0 : index
    %get3A_108 = vector.load %arg12[%get3A_106, %get3A_107] : memref<128x2xbf16, #tpu.memory_space<vmem>>, vector<128x2xbf16>
    %dot_general3A_109 = arith.constant dense<0.000000e+00> : vector<512x2xf32>
    %dot_general3A_110 = tpu.matmul %convert_element_type3A_105, %get3A_108, %dot_general3A_109 {dimension_numbers = #tpu.dot_dimension_numbers<[1], [0], [0], [1], [0, 0, 1, 1], [], []>, transpose_lhs_hint = false} : vector<512x128xbf16>, vector<128x2xbf16>, vector<512x2xf32> -> vector<512x2xf32>
    %get3A_111 = arith.constant 0 : index
    %get3A_112 = arith.constant 0 : index
    %get3A_113 = vector.load %arg13[%get3A_111, %get3A_112] : memref<1x2xf32, #tpu.memory_space<vmem>>, vector<1x2xf32>
    %add3A_114 = vector.broadcast %get3A_113 : vector<1x2xf32> to vector<512x2xf32>
    %add3A_115 = arith.addf %dot_general3A_110, %add3A_114 : vector<512x2xf32>
    %swap3A = arith.constant 0 : index
    %swap3A_116 = arith.constant 0 : index
    %swap3A_117 = vector.load %arg14[%swap3A, %swap3A_116] : memref<512x2xf32, #tpu.memory_space<vmem>>, vector<512x2xf32>
    tpu.vector_store %arg14[%swap3A, %swap3A_116], %add3A_115 {strides = array<i32>} : memref<512x2xf32, #tpu.memory_space<vmem>>, vector<512x2xf32>,
    return
  }
  func.func @transform_0(%arg0: i32) -> (i32, i32) {
    %c0_i32 = arith.constant 0 : i32
    %c0_i32_0 = arith.constant 0 : i32
    return %arg0, %c0_i32 : i32, i32
  }
  func.func @transform_1(%arg0: i32) -> (i32, i32) {
    %c0_i32 = arith.constant 0 : i32
    %c0_i32_0 = arith.constant 0 : i32
    return %arg0, %c0_i32 : i32, i32
  }
  func.func @transform_2(%arg0: i32) -> (i32, i32) {
    %c0_i32 = arith.constant 0 : i32
    %c0_i32_0 = arith.constant 0 : i32
    %c0_i32_1 = arith.constant 0 : i32
    return %c0_i32, %c0_i32_0 : i32, i32
  }
  func.func @transform_3(%arg0: i32) -> (i32, i32) {
    %c0_i32 = arith.constant 0 : i32
    %c0_i32_0 = arith.constant 0 : i32
    %c0_i32_1 = arith.constant 0 : i32
    return %c0_i32, %c0_i32_0 : i32, i32
  }
  func.func @transform_4(%arg0: i32) -> (i32, i32) {
    %c0_i32 = arith.constant 0 : i32
    %c0_i32_0 = arith.constant 0 : i32
    %c0_i32_1 = arith.constant 0 : i32
    return %c0_i32, %c0_i32_0 : i32, i32
  }
  func.func @transform_5(%arg0: i32) -> (i32, i32) {
    %c0_i32 = arith.constant 0 : i32
    %c0_i32_0 = arith.constant 0 : i32
    %c0_i32_1 = arith.constant 0 : i32
    return %c0_i32, %c0_i32_0 : i32, i32
  }
  func.func @transform_6(%arg0: i32) -> (i32, i32) {
    %c0_i32 = arith.constant 0 : i32
    %c0_i32_0 = arith.constant 0 : i32
    %c0_i32_1 = arith.constant 0 : i32
    return %c0_i32, %c0_i32_0 : i32, i32
  }
  func.func @transform_7(%arg0: i32) -> (i32, i32) {
    %c0_i32 = arith.constant 0 : i32
    %c0_i32_0 = arith.constant 0 : i32
    %c0_i32_1 = arith.constant 0 : i32
    return %c0_i32, %c0_i32_0 : i32, i32
  }
  func.func @transform_8(%arg0: i32) -> (i32, i32) {
    %c0_i32 = arith.constant 0 : i32
    %c0_i32_0 = arith.constant 0 : i32
    %c0_i32_1 = arith.constant 0 : i32
    return %c0_i32, %c0_i32_0 : i32, i32
  }
  func.func @transform_9(%arg0: i32) -> (i32, i32) {
    %c0_i32 = arith.constant 0 : i32
    %c0_i32_0 = arith.constant 0 : i32
    %c0_i32_1 = arith.constant 0 : i32
    return %c0_i32, %c0_i32_0 : i32, i32
  }
  func.func @transform_10(%arg0: i32) -> (i32, i32) {
    %c0_i32 = arith.constant 0 : i32
    %c0_i32_0 = arith.constant 0 : i32
    %c0_i32_1 = arith.constant 0 : i32
    return %c0_i32, %c0_i32_0 : i32, i32
  }
  func.func @transform_11(%arg0: i32) -> (i32, i32) {
    %c0_i32 = arith.constant 0 : i32
    %c0_i32_0 = arith.constant 0 : i32
    %c0_i32_1 = arith.constant 0 : i32
    return %c0_i32, %c0_i32_0 : i32, i32
  }
  func.func @transform_12(%arg0: i32) -> (i32, i32) {
    %c0_i32 = arith.constant 0 : i32
    %c0_i32_0 = arith.constant 0 : i32
    %c0_i32_1 = arith.constant 0 : i32
    return %c0_i32, %c0_i32_0 : i32, i32
  }
  func.func @transform_13(%arg0: i32) -> (i32, i32) {
    %c0_i32 = arith.constant 0 : i32
    %c0_i32_0 = arith.constant 0 : i32
    return %arg0, %c0_i32 : i32, i32
  }
}

</mosaic_0001>

<sc_bundles>
// kernel: kernel.4.cloned.1.call-start
scs
__scs_entry_jumppad:
0x0: {  	(pc) =	sbr.rel $0x88, $3  }
0x1: {  	(tag) =	ssettag $0x0;
	lr =	simm.s32 $0x1  }
0x2: {  	[smem:$0x3F95] =	sst lr;
	_ =	strace $0xD0000000  }
0x3: {  	_ = 	snop  }
0x4: {  	_ = 	snop  }
0x5: {  	_ = 	snop  }
0x6: {  	_ = 	snop  }
0x7: {  	_ = 	snop  }
__scs_overlays_trampoline_lowered:
0x8: {  	[smem:$0x3FA4] =	sst s0  }
0x9: {  	[smem:$0x3FA5] =	sst s1  }
0xa: {  	[smem:$0x3FA6] =	sst s2  }
0xb: {  	[smem:$0x3FA7] =	sst s3  }
0xc: {  	[smem:$0x3FA8] =	sst s4  }
0xd: {  	[smem:$0x3FA9] =	sst s5  }
0xe: {  	[smem:$0x3FAA] =	sst s6  }
0xf: {  	[smem:$0x3FAB] =	sst s7  }
0x10: {  	[smem:$0x3FAC] =	sst s8  }
0x11: {  	[smem:$0x3FAD] =	sst s9;
	s0 =	simm.s32 @!p0 $0x0  }
0x12: {  	s1 =	sld [smem:$0x3F93];
	s0 =	simm.s32 @p0 $0x1  }
0x13: {  	[smem:$0x3FAE] =	sst s0;
	s0 =	simm.s32 @!p1 $0x0  }
0x14: {  	s2 =	sld [smem:$0x3F92];
	s0 =	simm.s32 @p1 $0x1  }
0x15: {  	[smem:$0x3FAF] =	sst s0;
	s0 =	simm.s32 @!p2 $0x0  }
0x16: {  	s3 =	sld [smem:$0x3FDB];
	s0 =	simm.s32 @p2 $0x1  }
0x17: {  	s4 =	simm.s32 $0x1BF5;
	[smem:$0x3FB1] =	sst s0  }
0x18: {  	s0 =	sld [smem:$0x3F94];
	_ =	swait.ge [sflag:s4], $0x0  }
0x19: {  	s7 =	sld [smem:$0x3F95]  }
0x1a: {  	s8 =	sadd.s32 $0xFFFFE003, lr  }
0x1b: {  	s9 =	sadd.s32 $0xFFFFFEF7, lr;
	s5 =	simm.s32 $0xFFFFFFFF;
	p2 =	slt.u32 s8, $0xFFFFF086  }
0x1c: {  	p1 =	slt.u32 s9, $0xF7A;
	s5 =	simm.s32 @!p2 $0x0  }
0x1d: {  	s5 =	simm.s32 @p1 $0x1;
	p0 =	seq.s32 s7, s2  }
0x1e: {  	s7 =	smul.u32 @!p0 $0xF7A, s2;
	p2 =	seq.s32 @!p0 s5, $0x0  }
0x1f: {  	s9 =	smul.u32 $0xF7A, s1;
	s8 =	simm.s32 @!p0 $0x1BF5;
	p2 =	por !p2, p0  }
0x20: {  	[sflag:s8] =	ssyncset.s32 @!p0 $0xFFFFF086;
	s6 =	sadd.s32 @!p0 s3, s7;
	s7 =	simm.s32 @!p0 $0x108  }
0x21: {  	s3 =	sadd.s32 s3, s9;
	s6 =	sadd.s32 @!p0 $0x88, s6;
	s7 =	simm.s32 @p2 $0x1082  }
0x22: {  	[simem:s7], [sflag:s8] =	dma.local @!p0 [hbm:s6], $0xF7A  }
0x23: {  	s9 =	sor.u32 $0xD0000000, s2;
	s6 =	simm.s32 $0x108;
	_ =	swait.ge @!p0 [sflag:s8], $0x0  }
0x24: {  	s3 =	sadd.s32 $0x88, s3;
	s6 =	simm.s32 @!p1 $0x1082;
	[sflag:s4] =	ssyncset.s32 $0xFFFFF086  }
0x25: {  	[simem:s6], [sflag:s4] =	dma.local [hbm:s3], $0xF7A  }
0x26: {  	[smem:$0x3F95] =	sst s1;
	(tag) =	ssettag s2;
	_ =	strace s9  }
0x27: {  	s1 =	sld [smem:$0x3FA5]  }
0x28: {  	s2 =	sld [smem:$0x3FA6]  }
0x29: {  	s4 =	sld [smem:$0x3FA8]  }
0x2a: {  	p0 =	seq.s32 s5, $0x0;
	s5 =	sld [smem:$0x3FA9]  }
0x2b: {  	s6 =	sld [smem:$0x3FAA]  }
0x2c: {  	s7 =	sld [smem:$0x3FAB]  }
0x2d: {  	s3 =	simm.s32 $0x108;
	s8 =	sld [smem:$0x3FAC]  }
0x2e: {  	s3 =	simm.s32 @!p0 $0x1082;
	s9 =	sld [smem:$0x3FAD]  }
0x2f: {  	lr =	sadd.s32 s0, s3;
	s0 =	sld [smem:$0x3FA4]  }
0x30: {  	s3 =	sld [smem:$0x3FA7]  }
0x31: {  	[smem:$0x3FB0] =	sst s10  }
0x32: {  	s10 =	sld [smem:$0x3FAE];
	_ =	sdelay $0x3  }
0x33: {  	p0 =	seq.s32 s10, $0x1;
	s10 =	sld [smem:$0x3FB0];
	_ =	sdelay $0x3  }
0x34: {  	[smem:$0x3FB0] =	sst s10  }
0x35: {  	s10 =	sld [smem:$0x3FAF];
	_ =	sdelay $0x3  }
0x36: {  	p1 =	seq.s32 s10, $0x1;
	s10 =	sld [smem:$0x3FB0];
	_ =	sdelay $0x3  }
0x37: {  	[smem:$0x3FB0] =	sst s10  }
0x38: {  	s10 =	sld [smem:$0x3FB1]  }
0x39: {  	_ = 	snop;
	(pc) =	sbr.ind lr, $3  }
0x3a: {  	_ = 	snop  }
0x3b: {  	_ = 	snop  }
0x3c: {  	p2 =	seq.s32 s10, $0x1;
	s10 =	sld [smem:$0x3FB0]  }
0x3d: {  	_ =	shalt  }
0x3e: {  	_ =	shalt  }
0x3f: {  	_ =	shalt  }
0x40: {  	_ =	shalt  }
0x41: {  	_ =	shalt  }
0x42: {  	_ =	shalt  }
0x43: {  	_ =	shalt  }
0x44: {  	_ =	shalt  }
0x45: {  	_ =	shalt  }
0x46: {  	_ =	shalt  }
0x47: {  	_ =	shalt  }
0x48: {  	_ =	shalt  }
0x49: {  	_ =	shalt  }
0x4a: {  	_ =	shalt  }
0x4b: {  	_ =	shalt  }
0x4c: {  	_ =	shalt  }
0x4d: {  	_ =	shalt  }
0x4e: {  	_ =	shalt  }
0x4f: {  	_ =	shalt  }
0x50: {  	_ =	shalt  }
0x51: {  	_ =	shalt  }
0x52: {  	_ =	shalt  }
0x53: {  	_ =	shalt  }
0x54: {  	_ =	shalt  }
0x55: {  	_ =	shalt  }
0x56: {  	_ =	shalt  }
0x57: {  	_ =	shalt  }
0x58: {  	_ =	shalt  }
0x59: {  	_ =	shalt  }
0x5a: {  	_ =	shalt  }
0x5b: {  	_ =	shalt  }
0x5c: {  	_ =	shalt  }
0x5d: {  	_ =	shalt  }
0x5e: {  	_ =	shalt  }
0x5f: {  	_ =	shalt  }
0x60: {  	_ =	shalt  }
0x61: {  	_ =	shalt  }
0x62: {  	_ =	shalt  }
0x63: {  	_ =	shalt  }
0x64: {  	_ =	shalt  }
0x65: {  	_ =	shalt  }
0x66: {  	_ =	shalt  }
0x67: {  	_ =	shalt  }
0x68: {  	_ =	shalt  }
0x69: {  	_ =	shalt  }
0x6a: {  	_ =	shalt  }
0x6b: {  	_ =	shalt  }
0x6c: {  	_ =	shalt  }
0x6d: {  	_ =	shalt  }
0x6e: {  	_ =	shalt  }
0x6f: {  	_ =	shalt  }
0x70: {  	_ =	shalt  }
0x71: {  	_ =	shalt  }
0x72: {  	_ =	shalt  }
0x73: {  	_ =	shalt  }
0x74: {  	_ =	shalt  }
0x75: {  	_ =	shalt  }
0x76: {  	_ =	shalt  }
0x77: {  	_ =	shalt  }
0x78: {  	_ =	shalt  }
0x79: {  	_ =	shalt  }
0x7a: {  	_ =	shalt  }
0x7b: {  	_ =	shalt  }
0x7c: {  	_ =	shalt  }
0x7d: {  	_ =	shalt  }
0x7e: {  	_ =	shalt  }
0x7f: {  	_ =	shalt  }
0x80: {  	_ =	shalt  }
0x81: {  	_ =	shalt  }
0x82: {  	_ =	shalt  }
0x83: {  	_ =	shalt  }
0x84: {  	_ =	shalt  }
0x85: {  	_ =	shalt  }
0x86: {  	_ =	shalt  }
0x87: {  	_ =	shalt  }
.Lfunc_end0:
.L_simem_size_0:
called_computation_lowered:
.L_overlay_start_0:
0x88: {  	s2 =	sld [smem:$0x3FD9]  }
0x89: {  	s3 =	sld [smem:$0x3FFE];
	_ =	sdelay $0x1  }
0x8a: {  	s1 =	srdreg.scid  }
0x8b: {  	s0 =	sand.u32 $0x1, s1  }
0x8c: {  	s16 =	sshll.u32 s0, $0xA;
	s2 =	sadd.s32 s3, s2  }
0x8d: {  	s2 =	sadd.s32 s2, s16  }
0x8e: {  	[smem:$0x3FBC] =	sst s2  }
0x8f: {  	_ = 	snop  }
0x90: {  	(tm) =	ssettm $0x1  }
0x91: {  	s17 =	sld [smem:$0x3FFB];
	_ =	sdelay $0x3  }
0x92: {  	_ =	strace s17  }
0x93: {  	s2 =	sld [smem:$0x3FFC];
	_ =	sdelay $0x3  }
0x94: {  	_ =	strace s2  }
0x95: {  	s2 =	sld [smem:$0x3FFD];
	_ =	sdelay $0x3  }
0x96: {  	_ =	strace s2  }
0x97: {  	_ =	strace $0x8FFFFFFF  }
0x98: {  	s18 =	sld [smem:$0x3FDB];
	_ =	sdelay $0x1  }
0x99: {  	s19 =	simm.s32 $_scs_section_size  }
0x9a: {  	s4 =	simm.s32 $_size__tile_overlayer_lowered;
	s5 =	simm.s32 $_tile_overlayer_lowered  }
0x9b: {  	s22 =	simm.s32 $0x1BFF;
	s21 =	sshll.u32 s5, $0x1;
	s2 =	sadd.s32 s19, s18  }
0x9c: {  	s6 =	simm.s32 $0x0;
	s20 =	sshll.u32 s4, $0x1;
	s4 =	sadd.s32 s21, s2  }
0x9d: {  	[timem:s6], [sflag:s22] =	dma.local [hbm:s4], s20  }
0x9e: {  	_ =	swait.ge [sflag:s22], s20  }
0x9f: {  	s3 =	ssub.s32 $0x0, s20;
	[sflag:s22] =	ssyncset.done $0x0  }
0xa0: {  	[sflag:s22] =	ssyncadd.s32 s3;
	_ =	sdelay $0x1  }
0xa1: {  	s23 =	simm.s32 $0x1B8B  }
0xa2: {  	_ =	swait.ge [sflag:s23], $0x1  }
0xa3: {  	[sflag:s23] =	ssyncset.done $0x0  }
0xa4: {  	s25 =	simm.s32 $0x1B8E;
	s24 =	sld [smem:$0x3FFE];
	[sflag:s23] =	ssyncadd.s32 $0xFFFFFFFF  }
0xa5: {  	s26 =	simm.s32 $execute0_lowered;
	[smem:$0x3FD2] =	sst s25  }
0xa6: {  	s4 =	sshll.u32 s26, $0x1;
	_ =	strace $0x80000046;
	[dreg:$0x1] =	wrdreg $0xFFFFFFFF  }
0xa7: {  	s28 =	simm.s32 $_size_execute0_lowered;
	s2 =	sadd.s32 s2, s4;
	[dreg:$0x0] =	wrdreg $0x0  }
0xa8: {  	s4 =	sshll.u32 s28, $0x1;
	[dreg:$0x2] =	wrdreg s2  }
0xa9: {  	[dreg:$0x3] =	wrdreg s4  }
0xaa: {  	[dreg:$0x4] =	wrdreg $0xC0  }
0xab: {  	_ =	task [dreg:s6], $0x5FFFF  }
0xac: {  	[dreg:$0x1] =	wrdreg $0xFFFFFFFF  }
0xad: {  	[dreg:$0x0] =	wrdreg $0x60  }
0xae: {  	[dreg:$0x2] =	wrdreg s24  }
0xaf: {  	[dreg:$0x3] =	wrdreg $0x9  }
0xb0: {  	_ =	task.clear_ibuf [dreg:s6], $0x4FFFF;
	_ =	strace $0x90000046  }
0xb1: {  	s29 =	simm.s32 $0x9;
	_ =	strace $0x80000048  }
0xb2: {  	_ =	swait.ge [sflag:s29], $0x1  }
0xb3: {  	[sflag:s29] =	ssyncadd.s32 $0xFFFFFFFF  }
0xb4: {  	_ =	strace $0x90000048  }
0xb5: {  	_ =	sfence  }
0xb6: {  	s30 =	sld [smem:$0x0];
	_ =	sdelay $0x2  }
0xb7: {  	s31 =	sshll.u32 s1, $0xD;
	s1 =	sshrl.u32 s1, $0x2  }
0xb8: {  	s3 =	sand.u32 $0x4000, s31;
	s1 =	sadd.s32 s1, s30  }
0xb9: {  	s0 =	sor.u32 s3, s0;
	s1 =	sshll.u32 s1, $0x11  }
0xba: {  	s0 =	sor.u32 s1, s0  }
0xbb: {  	s0 =	sadd.s32 $0x8F2B, s0  }
0xbc: {  	[sflag:s0] =	ssyncadd.remote.s32 $0x1  }
0xbd: {  	_ =	sfence.sel $0xFFFF  }
0xbe: {  	[dreg:$0x0] =	wrdreg $0xFFFFFFFF;
	(pc) =	sbr.abs _section_cstart, $3  }
0xbf: {  	[dreg:$0x1] =	wrdreg $0xFFFFFFFF  }
0xc0: {  	_ =	task.clear_ibuf [dreg:s6], $0x2FFFF;
	_ =	strace $0x9FFFFFFF  }
0xc1: {  	(tm) =	ssettm $0x7FFFFFFF  }
tec
execute0_lowered:
.L_overlay_start_1:
0x0: {  	(tag) =	ssettag $0x1  }
0x1: {  	s1 =	srdreg.scid  }
0x2: {  	s0 =	stileid.u32;
	s29 =	sand.u32 $0x1, s1  }
0x3: {  	s11 =	rddreg [dreg:$0x0];
	s3 =	sshll.u32 s0, $0x10;
	s4 =	sshll.u32 s29, $0xF  }
0x4: {  	s2 =	simm.s32 $0x0;
	s1 =	rddreg [dreg:$0x1];
	s26 =	sor.u32 s4, s3  }
0x5: {  	[smem:$0x7FF] =	sst s2;
	s25 =	sadd.s32 $0x1A00, s11;
	s3 =	sshrl.u32 s26, $0x3  }
0x6: {  	_ =	strace $0x80000047;
	s4 =	simm.s32 $0x5;
	s3 =	sadd.s32 s25, s3  }
0x7: {  	[tilespmem:s2], [sflag:$0x5] =	stream.linear.gather [hbm4b:s3+s2], $0x1000, $0x38;
	[tilespmem:$0x12000] =	vst v63  }
0x8: {  	_ =	swait.ge [sflag:s4], $0x1000  }
0x9: {  	s6 =	simm.s32 $0x1000;
	s15 =	sor.u32 $0x1000, s26;
	[sflag:s4] =	ssyncset.done $0x0  }
0xa: {  	s5 =	sadd.s32 $0xF43E00, s11;
	s7 =	sshrl.u32 s15, $0x3;
	[sflag:s4] =	ssyncadd.s32 $0xFFFFF000  }
0xb: {  	[tilespmem:s6], [sflag:$0x1] =	stream.indirect.gather [hbm4b:s5+s6], $0x8, s2, s6, $0xb8;
	[tilespmem:$0x12000] =	vst v63  }
0xc: {  	s8 =	simm.s32 $0x9000;
	s7 =	sadd.s32 s25, s7  }
0xd: {  	[tilespmem:s8], [sflag:$0x5] =	stream.linear.gather [hbm4b:s7+s2], $0x1000, $0x38;
	[tilespmem:$0x12000] =	vst v63  }
0xe: {  	_ =	swait.ge [sflag:s4], $0x1000  }
0xf: {  	[sflag:s4] =	ssyncset.done $0x0  }
0x10: {  	s9 =	simm.s32 $0xA000;
	s10 =	simm.s32 $0x1;
	[sflag:s4] =	ssyncadd.s32 $0xFFFFF000  }
0x11: {  	[tilespmem:s9], [sflag:$0x2] =	stream.indirect.gather [hbm4b:s5+s6], $0x8, s8, s6, $0xb8;
	[tilespmem:$0x12000] =	vst v63  }
0x12: {  	_ =	swait.ge [sflag:s10], $0x8000  }
0x13: {  	s28 =	sadd.s32 $0x21A00, s11;
	s18 =	sor.u32 $0x2000, s26;
	[sflag:s10] =	ssyncset.done $0x0  }
0x14: {  	s11 =	sadd.s32 s28, s26;
	s12 =	sshrl.u32 s18, $0x3;
	[sflag:s10] =	ssyncadd.s32 $0xFFFF8000  }
0x15: {  	[hbm4b:s11+s2] =	stream.linear.scatter [tilespmem:s6], [sflag:$0x3], $0x8000, $0x38;
	[tilespmem:$0x12000] =	vst v63  }
0x16: {  	s12 =	sadd.s32 s25, s12  }
0x17: {  	[tilespmem:s2], [sflag:$0x5] =	stream.linear.gather [hbm4b:s12+s2], $0x1000, $0x38;
	[tilespmem:$0x12000] =	vst v63  }
0x18: {  	_ =	swait.ge [sflag:s4], $0x1000  }
0x19: {  	[sflag:s4] =	ssyncset.done $0x0  }
0x1a: {  	s13 =	simm.s32 $0x3;
	[sflag:s4] =	ssyncadd.s32 $0xFFFFF000  }
0x1b: {  	_ =	swait.ge [sflag:s13], $0x8000  }
0x1c: {  	[sflag:s13] =	ssyncset.done $0x0  }
0x1d: {  	s14 =	simm.s32 $0x2;
	[sflag:s13] =	ssyncadd.s32 $0xFFFF8000  }
0x1e: {  	[tilespmem:s6], [sflag:$0x1] =	stream.indirect.gather [hbm4b:s5+s6], $0x8, s2, s6, $0xb8;
	[tilespmem:$0x12000] =	vst v63  }
0x1f: {  	_ =	swait.ge [sflag:s14], $0x8000  }
0x20: {  	s20 =	sor.u32 $0x3000, s26;
	[sflag:s14] =	ssyncset.done $0x0  }
0x21: {  	s15 =	sadd.s32 s28, s15;
	s16 =	sshrl.u32 s20, $0x3;
	[sflag:s14] =	ssyncadd.s32 $0xFFFF8000  }
0x22: {  	[hbm4b:s15+s2] =	stream.linear.scatter [tilespmem:s9], [sflag:$0x4], $0x8000, $0x38;
	[tilespmem:$0x12000] =	vst v63  }
0x23: {  	s16 =	sadd.s32 s25, s16  }
0x24: {  	[tilespmem:s8], [sflag:$0x5] =	stream.linear.gather [hbm4b:s16+s2], $0x1000, $0x38;
	[tilespmem:$0x12000] =	vst v63  }
0x25: {  	_ =	swait.ge [sflag:s4], $0x1000  }
0x26: {  	[sflag:s4] =	ssyncset.done $0x0  }
0x27: {  	s17 =	simm.s32 $0x4;
	[sflag:s4] =	ssyncadd.s32 $0xFFFFF000  }
0x28: {  	_ =	swait.ge [sflag:s17], $0x8000  }
0x29: {  	[sflag:s17] =	ssyncset.done $0x0  }
0x2a: {  	[sflag:s17] =	ssyncadd.s32 $0xFFFF8000  }
0x2b: {  	[tilespmem:s9], [sflag:$0x2] =	stream.indirect.gather [hbm4b:s5+s6], $0x8, s8, s6, $0xb8;
	[tilespmem:$0x12000] =	vst v63  }
0x2c: {  	_ =	swait.ge [sflag:s10], $0x8000  }
0x2d: {  	s22 =	sor.u32 $0x4000, s26;
	[sflag:s10] =	ssyncset.done $0x0  }
0x2e: {  	s18 =	sadd.s32 s28, s18;
	s19 =	sshrl.u32 s22, $0x3;
	[sflag:s10] =	ssyncadd.s32 $0xFFFF8000  }
0x2f: {  	[hbm4b:s18+s2] =	stream.linear.scatter [tilespmem:s6], [sflag:$0x3], $0x8000, $0x38;
	[tilespmem:$0x12000] =	vst v63  }
0x30: {  	s19 =	sadd.s32 s25, s19  }
0x31: {  	[tilespmem:s2], [sflag:$0x5] =	stream.linear.gather [hbm4b:s19+s2], $0x1000, $0x38;
	[tilespmem:$0x12000] =	vst v63  }
0x32: {  	_ =	swait.ge [sflag:s4], $0x1000  }
0x33: {  	[sflag:s4] =	ssyncset.done $0x0  }
0x34: {  	[sflag:s4] =	ssyncadd.s32 $0xFFFFF000  }
0x35: {  	_ =	swait.ge [sflag:s13], $0x8000  }
0x36: {  	[sflag:s13] =	ssyncset.done $0x0  }
0x37: {  	[sflag:s13] =	ssyncadd.s32 $0xFFFF8000  }
0x38: {  	[tilespmem:s6], [sflag:$0x1] =	stream.indirect.gather [hbm4b:s5+s6], $0x8, s2, s6, $0xb8;
	[tilespmem:$0x12000] =	vst v63  }
0x39: {  	_ =	swait.ge [sflag:s14], $0x8000  }
0x3a: {  	s24 =	sor.u32 $0x5000, s26;
	[sflag:s14] =	ssyncset.done $0x0  }
0x3b: {  	s20 =	sadd.s32 s28, s20;
	s21 =	sshrl.u32 s24, $0x3;
	[sflag:s14] =	ssyncadd.s32 $0xFFFF8000  }
0x3c: {  	[hbm4b:s20+s2] =	stream.linear.scatter [tilespmem:s9], [sflag:$0x4], $0x8000, $0x38;
	[tilespmem:$0x12000] =	vst v63  }
0x3d: {  	s21 =	sadd.s32 s25, s21  }
0x3e: {  	[tilespmem:s8], [sflag:$0x5] =	stream.linear.gather [hbm4b:s21+s2], $0x1000, $0x38;
	[tilespmem:$0x12000] =	vst v63  }
0x3f: {  	_ =	swait.ge [sflag:s4], $0x1000  }
0x40: {  	[sflag:s4] =	ssyncset.done $0x0  }
0x41: {  	[sflag:s4] =	ssyncadd.s32 $0xFFFFF000  }
0x42: {  	_ =	swait.ge [sflag:s17], $0x8000  }
0x43: {  	[sflag:s17] =	ssyncset.done $0x0  }
0x44: {  	[sflag:s17] =	ssyncadd.s32 $0xFFFF8000  }
0x45: {  	[tilespmem:s9], [sflag:$0x2] =	stream.indirect.gather [hbm4b:s5+s6], $0x8, s8, s6, $0xb8;
	[tilespmem:$0x12000] =	vst v63  }
0x46: {  	_ =	swait.ge [sflag:s10], $0x8000  }
0x47: {  	s30 =	sor.u32 $0x6000, s26;
	[sflag:s10] =	ssyncset.done $0x0  }
0x48: {  	s22 =	sadd.s32 s28, s22;
	s23 =	sshrl.u32 s30, $0x3;
	[sflag:s10] =	ssyncadd.s32 $0xFFFF8000  }
0x49: {  	[hbm4b:s22+s2] =	stream.linear.scatter [tilespmem:s6], [sflag:$0x3], $0x8000, $0x38;
	[tilespmem:$0x12000] =	vst v63  }
0x4a: {  	s23 =	sadd.s32 s25, s23  }
0x4b: {  	[tilespmem:s2], [sflag:$0x5] =	stream.linear.gather [hbm4b:s23+s2], $0x1000, $0x38;
	[tilespmem:$0x12000] =	vst v63  }
0x4c: {  	_ =	swait.ge [sflag:s4], $0x1000  }
0x4d: {  	[sflag:s4] =	ssyncset.done $0x0  }
0x4e: {  	[sflag:s4] =	ssyncadd.s32 $0xFFFFF000  }
0x4f: {  	_ =	swait.ge [sflag:s13], $0x8000  }
0x50: {  	[sflag:s13] =	ssyncset.done $0x0  }
0x51: {  	[sflag:s13] =	ssyncadd.s32 $0xFFFF8000  }
0x52: {  	[tilespmem:s6], [sflag:$0x1] =	stream.indirect.gather [hbm4b:s5+s6], $0x8, s2, s6, $0xb8;
	[tilespmem:$0x12000] =	vst v63  }
0x53: {  	_ =	swait.ge [sflag:s14], $0x8000  }
0x54: {  	s31 =	sor.u32 $0x7000, s26;
	[sflag:s14] =	ssyncset.done $0x0  }
0x55: {  	s24 =	sadd.s32 s28, s24;
	s26 =	sshrl.u32 s31, $0x3;
	[sflag:s14] =	ssyncadd.s32 $0xFFFF8000  }
0x56: {  	[hbm4b:s24+s2] =	stream.linear.scatter [tilespmem:s9], [sflag:$0x4], $0x8000, $0x38;
	[tilespmem:$0x12000] =	vst v63  }
0x57: {  	s25 =	sadd.s32 s25, s26  }
0x58: {  	[tilespmem:s8], [sflag:$0x5] =	stream.linear.gather [hbm4b:s25+s2], $0x1000, $0x38;
	[tilespmem:$0x12000] =	vst v63  }
0x59: {  	_ =	swait.ge [sflag:s4], $0x1000  }
0x5a: {  	[sflag:s4] =	ssyncset.done $0x0  }
0x5b: {  	[sflag:s4] =	ssyncadd.s32 $0xFFFFF000  }
0x5c: {  	_ =	swait.ge [sflag:s17], $0x8000  }
0x5d: {  	[sflag:s17] =	ssyncset.done $0x0  }
0x5e: {  	[sflag:s17] =	ssyncadd.s32 $0xFFFF8000  }
0x5f: {  	[tilespmem:s9], [sflag:$0x2] =	stream.indirect.gather [hbm4b:s5+s6], $0x8, s8, s6, $0xb8;
	[tilespmem:$0x12000] =	vst v63  }
0x60: {  	_ =	swait.ge [sflag:s10], $0x8000  }
0x61: {  	s29 =	ssub.s32 $0x2, s29;
	s26 =	sadd.s32 s28, s30;
	[sflag:s10] =	ssyncset.done $0x0  }
0x62: {  	s28 =	sadd.s32 s28, s31;
	s31 =	sshrl.u32 s29, $0x1;
	[sflag:s10] =	ssyncadd.s32 $0xFFFF8000  }
0x63: {  	[hbm4b:s26+s2] =	stream.linear.scatter [tilespmem:s6], [sflag:$0x3], $0x8000, $0x38;
	[tilespmem:$0x12000] =	vst v63  }
0x64: {  	s29 =	ssub.s32 s29, s31;
	_ =	swait.ge [sflag:s14], $0x8000  }
0x65: {  	s29 =	smax.u32 s29, $0x1;
	[sflag:s14] =	ssyncset.done $0x0  }
0x66: {  	p0 =	sne.s32 s29, $0x1;
	[sflag:s14] =	ssyncadd.s32 $0xFFFF8000  }
0x67: {  	[hbm4b:s28+s2] =	stream.linear.scatter [tilespmem:s9], [sflag:$0x4], $0x8000, $0x38;
	[tilespmem:$0x12000] =	vst v63  }
.Ltmp0:
0x68: {  	_ =	swait.ge [sflag:s13], $0x8000;
	(pc) =	sbr.rel @!p0 .LBB2_2-.Ltmp0, $4  }
0x69: {  	[sflag:s13] =	ssyncset.done $0x0  }
0x6a: {  	[sflag:s13] =	ssyncadd.s32 $0xFFFF8000  }
0x6b: {  	_ =	swait.ge [sflag:s17], $0x8000  }
0x6c: {  	s29 =	sadd.s32 $0xFFFFFFFF, s29;
	[sflag:s17] =	ssyncset.done $0x0  }
.LBB2_1:
0x6d: {  	p0 =	sne.s32 s29, $0x1;
	s29 =	sadd.s32 $0xFFFFFFFF, s29;
	[sflag:s17] =	ssyncadd.s32 $0xFFFF8000  }
0x6e: {  	[tilespmem:s2], [sflag:$0x5] =	stream.linear.gather [hbm4b:s3+s2], $0x1000, $0x38;
	[tilespmem:$0x12000] =	vst v63  }
0x6f: {  	_ =	swait.ge [sflag:s4], $0x1000  }
0x70: {  	[sflag:s4] =	ssyncset.done $0x0  }
0x71: {  	[sflag:s4] =	ssyncadd.s32 $0xFFFFF000  }
0x72: {  	[tilespmem:s6], [sflag:$0x1] =	stream.indirect.gather [hbm4b:s5+s6], $0x8, s2, s6, $0xb8;
	[tilespmem:$0x12000] =	vst v63  }
0x73: {  	_ = 	snop  }
0x74: {  	[tilespmem:s8], [sflag:$0x5] =	stream.linear.gather [hbm4b:s7+s2], $0x1000, $0x38;
	[tilespmem:$0x12000] =	vst v63  }
0x75: {  	_ =	swait.ge [sflag:s4], $0x1000  }
0x76: {  	[sflag:s4] =	ssyncset.done $0x0  }
0x77: {  	[sflag:s4] =	ssyncadd.s32 $0xFFFFF000  }
0x78: {  	[tilespmem:s9], [sflag:$0x2] =	stream.indirect.gather [hbm4b:s5+s6], $0x8, s8, s6, $0xb8;
	[tilespmem:$0x12000] =	vst v63  }
0x79: {  	_ =	swait.ge [sflag:s10], $0x8000  }
0x7a: {  	[sflag:s10] =	ssyncset.done $0x0  }
0x7b: {  	[sflag:s10] =	ssyncadd.s32 $0xFFFF8000  }
0x7c: {  	[hbm4b:s11+s2] =	stream.linear.scatter [tilespmem:s6], [sflag:$0x3], $0x8000, $0x38;
	[tilespmem:$0x12000] =	vst v63  }
0x7d: {  	_ = 	snop  }
0x7e: {  	[tilespmem:s2], [sflag:$0x5] =	stream.linear.gather [hbm4b:s12+s2], $0x1000, $0x38;
	[tilespmem:$0x12000] =	vst v63  }
0x7f: {  	_ =	swait.ge [sflag:s4], $0x1000  }
0x80: {  	[sflag:s4] =	ssyncset.done $0x0  }
0x81: {  	[sflag:s4] =	ssyncadd.s32 $0xFFFFF000  }
0x82: {  	_ =	swait.ge [sflag:s13], $0x8000  }
0x83: {  	[sflag:s13] =	ssyncset.done $0x0  }
0x84: {  	[sflag:s13] =	ssyncadd.s32 $0xFFFF8000  }
0x85: {  	[tilespmem:s6], [sflag:$0x1] =	stream.indirect.gather [hbm4b:s5+s6], $0x8, s2, s6, $0xb8;
	[tilespmem:$0x12000] =	vst v63  }
0x86: {  	_ =	swait.ge [sflag:s14], $0x8000  }
0x87: {  	[sflag:s14] =	ssyncset.done $0x0  }
0x88: {  	[sflag:s14] =	ssyncadd.s32 $0xFFFF8000  }
0x89: {  	[hbm4b:s15+s2] =	stream.linear.scatter [tilespmem:s9], [sflag:$0x4], $0x8000, $0x38;
	[tilespmem:$0x12000] =	vst v63  }
0x8a: {  	_ = 	snop  }
0x8b: {  	[tilespmem:s8], [sflag:$0x5] =	stream.linear.gather [hbm4b:s16+s2], $0x1000, $0x38;
	[tilespmem:$0x12000] =	vst v63  }
0x8c: {  	_ =	swait.ge [sflag:s4], $0x1000  }
0x8d: {  	[sflag:s4] =	ssyncset.done $0x0  }
0x8e: {  	[sflag:s4] =	ssyncadd.s32 $0xFFFFF000  }
0x8f: {  	_ =	swait.ge [sflag:s17], $0x8000  }
0x90: {  	[sflag:s17] =	ssyncset.done $0x0  }
0x91: {  	[sflag:s17] =	ssyncadd.s32 $0xFFFF8000  }
0x92: {  	[tilespmem:s9], [sflag:$0x2] =	stream.indirect.gather [hbm4b:s5+s6], $0x8, s8, s6, $0xb8;
	[tilespmem:$0x12000] =	vst v63  }
0x93: {  	_ =	swait.ge [sflag:s10], $0x8000  }
0x94: {  	[sflag:s10] =	ssyncset.done $0x0  }
0x95: {  	[sflag:s10] =	ssyncadd.s32 $0xFFFF8000  }
0x96: {  	[hbm4b:s18+s2] =	stream.linear.scatter [tilespmem:s6], [sflag:$0x3], $0x8000, $0x38;
	[tilespmem:$0x12000] =	vst v63  }
0x97: {  	_ = 	snop  }
0x98: {  	[tilespmem:s2], [sflag:$0x5] =	stream.linear.gather [hbm4b:s19+s2], $0x1000, $0x38;
	[tilespmem:$0x12000] =	vst v63  }
0x99: {  	_ =	swait.ge [sflag:s4], $0x1000  }
0x9a: {  	[sflag:s4] =	ssyncset.done $0x0  }
0x9b: {  	[sflag:s4] =	ssyncadd.s32 $0xFFFFF000  }
0x9c: {  	_ =	swait.ge [sflag:s13], $0x8000  }
0x9d: {  	[sflag:s13] =	ssyncset.done $0x0  }
0x9e: {  	[sflag:s13] =	ssyncadd.s32 $0xFFFF8000  }
0x9f: {  	[tilespmem:s6], [sflag:$0x1] =	stream.indirect.gather [hbm4b:s5+s6], $0x8, s2, s6, $0xb8;
	[tilespmem:$0x12000] =	vst v63  }
0xa0: {  	_ =	swait.ge [sflag:s14], $0x8000  }
0xa1: {  	[sflag:s14] =	ssyncset.done $0x0  }
0xa2: {  	[sflag:s14] =	ssyncadd.s32 $0xFFFF8000  }
0xa3: {  	[hbm4b:s20+s2] =	stream.linear.scatter [tilespmem:s9], [sflag:$0x4], $0x8000, $0x38;
	[tilespmem:$0x12000] =	vst v63  }
0xa4: {  	_ = 	snop  }
0xa5: {  	[tilespmem:s8], [sflag:$0x5] =	stream.linear.gather [hbm4b:s21+s2], $0x1000, $0x38;
	[tilespmem:$0x12000] =	vst v63  }
0xa6: {  	_ =	swait.ge [sflag:s4], $0x1000  }
0xa7: {  	[sflag:s4] =	ssyncset.done $0x0  }
0xa8: {  	[sflag:s4] =	ssyncadd.s32 $0xFFFFF000  }
0xa9: {  	_ =	swait.ge [sflag:s17], $0x8000  }
0xaa: {  	[sflag:s17] =	ssyncset.done $0x0  }
0xab: {  	[sflag:s17] =	ssyncadd.s32 $0xFFFF8000  }
0xac: {  	[tilespmem:s9], [sflag:$0x2] =	stream.indirect.gather [hbm4b:s5+s6], $0x8, s8, s6, $0xb8;
	[tilespmem:$0x12000] =	vst v63  }
0xad: {  	_ =	swait.ge [sflag:s10], $0x8000  }
0xae: {  	[sflag:s10] =	ssyncset.done $0x0  }
0xaf: {  	[sflag:s10] =	ssyncadd.s32 $0xFFFF8000  }
0xb0: {  	[hbm4b:s22+s2] =	stream.linear.scatter [tilespmem:s6], [sflag:$0x3], $0x8000, $0x38;
	[tilespmem:$0x12000] =	vst v63  }
0xb1: {  	_ = 	snop  }
0xb2: {  	[tilespmem:s2], [sflag:$0x5] =	stream.linear.gather [hbm4b:s23+s2], $0x1000, $0x38;
	[tilespmem:$0x12000] =	vst v63  }
0xb3: {  	_ =	swait.ge [sflag:s4], $0x1000  }
0xb4: {  	[sflag:s4] =	ssyncset.done $0x0  }
0xb5: {  	[sflag:s4] =	ssyncadd.s32 $0xFFFFF000  }
0xb6: {  	_ =	swait.ge [sflag:s13], $0x8000  }
0xb7: {  	[sflag:s13] =	ssyncset.done $0x0  }
0xb8: {  	[sflag:s13] =	ssyncadd.s32 $0xFFFF8000  }
0xb9: {  	[tilespmem:s6], [sflag:$0x1] =	stream.indirect.gather [hbm4b:s5+s6], $0x8, s2, s6, $0xb8;
	[tilespmem:$0x12000] =	vst v63  }
0xba: {  	_ =	swait.ge [sflag:s14], $0x8000  }
0xbb: {  	[sflag:s14] =	ssyncset.done $0x0  }
0xbc: {  	[sflag:s14] =	ssyncadd.s32 $0xFFFF8000  }
0xbd: {  	[hbm4b:s24+s2] =	stream.linear.scatter [tilespmem:s9], [sflag:$0x4], $0x8000, $0x38;
	[tilespmem:$0x12000] =	vst v63  }
0xbe: {  	_ = 	snop  }
0xbf: {  	[tilespmem:s8], [sflag:$0x5] =	stream.linear.gather [hbm4b:s25+s2], $0x1000, $0x38;
	[tilespmem:$0x12000] =	vst v63  }
0xc0: {  	_ =	swait.ge [sflag:s4], $0x1000  }
0xc1: {  	[sflag:s4] =	ssyncset.done $0x0  }
0xc2: {  	[sflag:s4] =	ssyncadd.s32 $0xFFFFF000  }
0xc3: {  	_ =	swait.ge [sflag:s17], $0x8000  }
0xc4: {  	[sflag:s17] =	ssyncset.done $0x0  }
0xc5: {  	[sflag:s17] =	ssyncadd.s32 $0xFFFF8000  }
0xc6: {  	[tilespmem:s9], [sflag:$0x2] =	stream.indirect.gather [hbm4b:s5+s6], $0x8, s8, s6, $0xb8;
	[tilespmem:$0x12000] =	vst v63  }
0xc7: {  	_ =	swait.ge [sflag:s10], $0x8000  }
0xc8: {  	[sflag:s10] =	ssyncset.done $0x0  }
0xc9: {  	[sflag:s10] =	ssyncadd.s32 $0xFFFF8000  }
0xca: {  	[hbm4b:s26+s2] =	stream.linear.scatter [tilespmem:s6], [sflag:$0x3], $0x8000, $0x38;
	[tilespmem:$0x12000] =	vst v63  }
0xcb: {  	_ =	swait.ge [sflag:s14], $0x8000  }
0xcc: {  	[sflag:s14] =	ssyncset.done $0x0  }
0xcd: {  	[sflag:s14] =	ssyncadd.s32 $0xFFFF8000  }
0xce: {  	[hbm4b:s28+s2] =	stream.linear.scatter [tilespmem:s9], [sflag:$0x4], $0x8000, $0x38;
	[tilespmem:$0x12000] =	vst v63  }
.Ltmp1:
0xcf: {  	_ =	swait.ge [sflag:s13], $0x8000;
	(pc) =	sbr.rel @p0 .LBB2_1-.Ltmp1, $4  }
0xd0: {  	[sflag:s13] =	ssyncset.done $0x0  }
0xd1: {  	[sflag:s13] =	ssyncadd.s32 $0xFFFF8000  }
0xd2: {  	_ =	swait.ge [sflag:s17], $0x8000  }
0xd3: {  	[sflag:s17] =	ssyncset.done $0x0  }
.LBB2_2:
0xd4: {  	[sflag:s17] =	ssyncadd.s32 $0xFFFF8000  }
0xd5: {  	_ =	sfence.sel $0x180000  }
0xd6: {  	[bflag:$0x0] =	sbarrier.arrive $0xFFFF  }
0xd7: {  	p0 =	sne.s32 s0, $0x0;
	_ =	strace $0x90000047  }
0xd8: {  	s0 =	sadd.s32 @!p0 $0x100000, s1;
	[bflag:$0x2] =	sbarrier.arrive $0xFFFF  }
0xd9: {  	[sflag:s0] =	ssyncadd.tile.s32 @!p0 $0x1;
	_ =	shalt  }
.Lfunc_end2:
_tile_overlayer_lowered:
.L_overlay_start_2:
0xda: {  	(tag) =	ssettag $0x2  }
0xdb: {  	s0 =	rddreg [dreg:$0x0];
	s2 =	stileid.u32  }
0xdc: {  	s1 =	rddreg [dreg:$0x1];
	p0 =	sne.s32 s2, $0x0  }
0xdd: {  	s3 =	rddreg [dreg:$0x2];
	[bflag:$0x3] =	sbarrier.arrive $0xFFFF;
	s2 =	simm.s32 @!p0 $0x1C05  }
0xde: {  	[timem:s3], [sflag:s2] =	dma.local @!p0 [hbm:s0], s1  }
0xdf: {  	s0 =	simm.s32 @!p0 $0x5  }
0xe0: {  	_ =	swait.ge @!p0 [sflag:s0], s1  }
0xe1: {  	s1 =	ssub.s32 @!p0 $0x0, s1;
	[sflag:s0] =	ssyncset.done @!p0 $0x0  }
0xe2: {  	[sflag:s0] =	ssyncadd.s32 @!p0 s1  }
0xe3: {  	[bflag:$0x3] =	sbarrier.arrive $0xFFFF  }
0xe4: {  	_ =	shalt  }

</sc_bundles>
